<compile_context>
chip_gen: v7x
topology: tpu7x:2x2x1
jax: 0.10.2.dev20260603
libtpu: 0.0.44.dev20260713+nightly
codegen_flags: <defaults>
</compile_context>

<pallas_src>
import functools

import jax
import jax.numpy as jnp
from jax import lax
from jax.experimental import pallas as pl
from jax.experimental.pallas import tpu as pltpu
from jax.experimental.pallas import tpu_sc as plsc

B = 16384
NC, NS = 2, 16
NW = NC * NS
BPW = B // NW
CHUNK = 128
NCH = BPW // CHUNK

BB = 2048
GRID = B // BB

def _sc_gather_body(rid_idx, pz_idx, dz_idx,
                    rider_tab, pickup_tab, dropoff_tab,
                    rider_out, pickup_out, dropoff_out,
                    ridx_v, pidx_v, didx_v, rrows_v, prows_v, drows_v, sem):
    wid = lax.axis_index("s") * NC + lax.axis_index("c")
    base = wid * BPW
    row0 = wid * NCH
    pltpu.sync_copy(rid_idx.at[pl.ds(row0, NCH)], ridx_v)
    pltpu.sync_copy(pz_idx.at[pl.ds(row0, NCH)], pidx_v)
    pltpu.sync_copy(dz_idx.at[pl.ds(row0, NCH)], didx_v)
    copies = []
    for j in range(NCH):
        copies.append(pltpu.async_copy(
            rider_tab.at[ridx_v.at[j]],
            rrows_v.at[pl.ds(j * CHUNK, CHUNK)], sem))
        copies.append(pltpu.async_copy(
            pickup_tab.at[pidx_v.at[j]],
            prows_v.at[pl.ds(j * CHUNK, CHUNK)], sem))
        copies.append(pltpu.async_copy(
            dropoff_tab.at[didx_v.at[j]],
            drows_v.at[pl.ds(j * CHUNK, CHUNK)], sem))
    for c in copies:
        c.wait()
    pltpu.sync_copy(rrows_v, rider_out.at[pl.ds(base, BPW)])
    pltpu.sync_copy(prows_v, pickup_out.at[pl.ds(base, BPW)])
    pltpu.sync_copy(drows_v, dropoff_out.at[pl.ds(base, BPW)])


@functools.lru_cache(maxsize=None)
def _build_sc_gather():
    mesh = plsc.VectorSubcoreMesh(core_axis_name="c", subcore_axis_name="s")
    return pl.kernel(
        _sc_gather_body,
        out_type=(
            jax.ShapeDtypeStruct((B, 32), jnp.float32),
            jax.ShapeDtypeStruct((B, 16), jnp.float32),
            jax.ShapeDtypeStruct((B, 16), jnp.float32),
        ),
        mesh=mesh,
        scratch_types=[
            pltpu.VMEM((NCH, CHUNK), jnp.int32),
            pltpu.VMEM((NCH, CHUNK), jnp.int32),
            pltpu.VMEM((NCH, CHUNK), jnp.int32),
            pltpu.VMEM((BPW, 32), jnp.float32),
            pltpu.VMEM((BPW, 16), jnp.float32),
            pltpu.VMEM((BPW, 16), jnp.float32),
            pltpu.SemaphoreType.DMA,
        ],
        compiler_params=pltpu.CompilerParams(use_tc_tiling_on_sc=False),
    )


def _tc_body(hour_ref, wday_ref, rrows_ref, prows_ref, drows_ref, dense_ref,
             htab_ref, wtab_ref, w1r_ref, w1p_ref, w1d_ref, w1h_ref,
             w1w_ref, w1x_ref, b1_ref, w2_ref, b2_ref, out_ref):
    f32 = jnp.float32
    h = jnp.dot(rrows_ref[...], w1r_ref[...], preferred_element_type=f32)
    h += jnp.dot(prows_ref[...], w1p_ref[...], preferred_element_type=f32)
    h += jnp.dot(drows_ref[...], w1d_ref[...], preferred_element_type=f32)
    th = jnp.dot(htab_ref[...], w1h_ref[...], preferred_element_type=f32)
    tw = jnp.dot(wtab_ref[...], w1w_ref[...], preferred_element_type=f32)
    oneh = (lax.broadcasted_iota(jnp.int32, (BB, 24), 1)
            == hour_ref[...]).astype(f32)
    onew = (lax.broadcasted_iota(jnp.int32, (BB, 8), 1)
            == wday_ref[...]).astype(f32)
    h += jnp.dot(oneh, th, preferred_element_type=f32)
    h += jnp.dot(onew, tw, preferred_element_type=f32)
    h += jnp.dot(dense_ref[...], w1x_ref[...], preferred_element_type=f32)
    h = jnp.maximum(h + b1_ref[...], 0.0)
    h2 = jnp.dot(h, w2_ref[...], preferred_element_type=f32) + b2_ref[...]
    out_ref[...] = jnp.maximum(h2, 0.0)


def _full(shape):
    return pl.BlockSpec(shape, lambda i: (0, 0))


_tc_mlp = pl.pallas_call(
    _tc_body,
    grid=(GRID,),
    in_specs=[
        pl.BlockSpec((BB, 1), lambda i: (i, 0)),
        pl.BlockSpec((BB, 1), lambda i: (i, 0)),
        pl.BlockSpec((BB, 32), lambda i: (i, 0)),
        pl.BlockSpec((BB, 16), lambda i: (i, 0)),
        pl.BlockSpec((BB, 16), lambda i: (i, 0)),
        pl.BlockSpec((BB, 16), lambda i: (i, 0)),
        _full((24, 8)),
        _full((8, 8)),
        _full((32, 64)),
        _full((16, 64)),
        _full((16, 64)),
        _full((8, 64)),
        _full((8, 64)),
        _full((16, 64)),
        _full((1, 64)),
        _full((64, 64)),
        _full((1, 64)),
    ],
    out_specs=pl.BlockSpec((BB, 64), lambda i: (i, 0)),
    out_shape=jax.ShapeDtypeStruct((B, 64), jnp.float32),
)


def kernel(rider_id, pickup_zone, dropoff_zone, hour, weekday,
           rider_dense, trip_dense, context_dense,
           rider_table, pickup_table, dropoff_table, hour_table, weekday_table,
           W1, b1, W2, b2):
    rid = rider_id.astype(jnp.int32).reshape(B // CHUNK, CHUNK)
    pz = pickup_zone.astype(jnp.int32).reshape(B // CHUNK, CHUNK)
    dz = dropoff_zone.astype(jnp.int32).reshape(B // CHUNK, CHUNK)

    rrows, prows, drows = _build_sc_gather()(
        rid, pz, dz, rider_table, pickup_table, dropoff_table)

    dense = jnp.concatenate(
        [rider_dense, trip_dense, context_dense,
         jnp.zeros((B, 2), jnp.float32)], axis=1)
    wtab = jnp.concatenate([weekday_table, jnp.zeros((1, 8), jnp.float32)], 0)
    w1x = jnp.concatenate([W1[80:94], jnp.zeros((2, 64), jnp.float32)], 0)

    return _tc_mlp(hour.astype(jnp.int32).reshape(B, 1),
                   weekday.astype(jnp.int32).reshape(B, 1),
                   rrows, prows, drows, dense,
                   hour_table, wtab,
                   W1[0:32], W1[32:48], W1[48:64], W1[64:72], W1[72:80], w1x,
                   b1.reshape(1, 64), W2, b2.reshape(1, 64))

# --- scband reference (transcript-rebuilt; emitter-appended) ---
"""Pipeline reference for scband-rider-encoder-30537217475163 (READ-ONLY COPY).

The authoritative reference and input builder live on the scoring server;
editing this copy changes nothing except your own understanding.
"""

import jax, jax.numpy as jnp
import numpy as np

B = 16384

def setup_inputs(seed: int = 0):
    key = jax.random.key(seed)
    ks = jax.random.split(key, 16)
    return {
        "rider_id": jax.random.randint(ks[0], (B,), 0, 1000000),
        "pickup_zone": jax.random.randint(ks[1], (B,), 0, 5000),
        "dropoff_zone": jax.random.randint(ks[2], (B,), 0, 5000),
        "hour": jax.random.randint(ks[3], (B,), 0, 24),
        "weekday": jax.random.randint(ks[4], (B,), 0, 7),
        "rider_dense": jax.random.normal(ks[5], (B, 6), dtype=jnp.float32),
        "trip_dense": jax.random.normal(ks[6], (B, 4), dtype=jnp.float32),
        "context_dense": jax.random.normal(ks[7], (B, 4), dtype=jnp.float32),
        "rider_table": jax.random.normal(ks[8], (1000000, 32), dtype=jnp.float32) * 0.02,
        "pickup_table": jax.random.normal(ks[9], (5000, 16), dtype=jnp.float32) * 0.02,
        "dropoff_table": jax.random.normal(ks[10], (5000, 16), dtype=jnp.float32) * 0.02,
        "hour_table": jax.random.normal(ks[11], (24, 8), dtype=jnp.float32) * 0.02,
        "weekday_table": jax.random.normal(ks[12], (7, 8), dtype=jnp.float32) * 0.02,
        "W1": jax.random.normal(ks[13], (94, 64), dtype=jnp.float32) * 0.05,
        "b1": jnp.zeros((64,), dtype=jnp.float32),
        "W2": jax.random.normal(ks[14], (64, 64), dtype=jnp.float32) * 0.05,
        "b2": jnp.zeros((64,), dtype=jnp.float32),
    }

def reference(rider_id, pickup_zone, dropoff_zone, hour, weekday,
              rider_dense, trip_dense, context_dense,
              rider_table, pickup_table, dropoff_table, hour_table, weekday_table,
              W1, b1, W2, b2):
    x = jnp.concatenate([
        jnp.take(rider_table, rider_id, axis=0),
        jnp.take(pickup_table, pickup_zone, axis=0),
        jnp.take(dropoff_table, dropoff_zone, axis=0),
        jnp.take(hour_table, hour, axis=0),
        jnp.take(weekday_table, weekday, axis=0),
        rider_dense, trip_dense, context_dense,
    ], axis=-1)
    h = jax.nn.relu(x @ W1 + b1)
    h = jax.nn.relu(h @ W2 + b2)
    return h

if __name__ == "__main__":
    import jax
    _d = setup_inputs()
    print(jax.jit(kernel)(*tuple(_d.values())))

</pallas_src>

<mosaic_0001>
#map = affine_map<(d0, d1) -> (0, 0)>
module attributes {stable_mosaic.version = 14 : i64} {
  func.func @_sc_gather_body(%arg0: i32, %arg1: i32, %arg2: memref<128x128xi32, #tpu.memory_space<hbm>>, %arg3: memref<128x128xi32, #tpu.memory_space<hbm>>, %arg4: memref<128x128xi32, #tpu.memory_space<hbm>>, %arg5: memref<1000000x32xf32, #tpu.memory_space<hbm>>, %arg6: memref<5000x16xf32, #tpu.memory_space<hbm>>, %arg7: memref<5000x16xf32, #tpu.memory_space<hbm>>, %arg8: memref<16384x32xf32, #tpu.memory_space<hbm>>, %arg9: memref<16384x16xf32, #tpu.memory_space<hbm>>, %arg10: memref<16384x16xf32, #tpu.memory_space<hbm>>, %arg11: memref<4x128xi32, #tpu.memory_space<vmem>>, %arg12: memref<4x128xi32, #tpu.memory_space<vmem>>, %arg13: memref<4x128xi32, #tpu.memory_space<vmem>>, %arg14: memref<512x32xf32, #tpu.memory_space<vmem>>, %arg15: memref<512x16xf32, #tpu.memory_space<vmem>>, %arg16: memref<512x16xf32, #tpu.memory_space<vmem>>, %arg17: memref<!tpu.dma_semaphore, #tpu.memory_space<semaphore_mem>>) attributes {dimension_semantics = [#tpu.dimension_semantics<core_parallel>, #tpu.dimension_semantics<subcore_parallel>], iteration_bounds = array<i64: 2, 16>, scalar_prefetch = 0 : i64, scratch_operands = 7 : i64, tpu.core_type = #tpu.core_type<sc_vector_subcore>, window_params = [{transform_indices = #map}, {transform_indices = #map}, {transform_indices = #map}, {transform_indices = #map}, {transform_indices = #map}, {transform_indices = #map}, {transform_indices = #map}, {transform_indices = #map}, {transform_indices = #map}]} {
    %mul3A = arith.constant 2 : i32
    %mul3A_0 = arith.muli %arg1, %mul3A : i32
    %add3A = arith.addi %mul3A_0, %arg0 : i32
    %mul3A_1 = arith.constant 512 : i32
    %mul3A_2 = arith.muli %add3A, %mul3A_1 : i32
    %mul3A_3 = arith.constant 4 : i32
    %mul3A_4 = arith.muli %add3A, %mul3A_3 : i32
    "tpu.region"() ({
      %run_scoped3A = tpu.sem_alloc : memref<!tpu.dma_semaphore, #tpu.memory_space<semaphore_mem>>
      %dma_start3A_243 = arith.constant 0 : i32
      %dma_start3A_244 = tpu.memref_slice %arg2[%mul3A_4, %dma_start3A_243] : memref<128x128xi32, #tpu.memory_space<hbm>> -> memref<4x128xi32, #tpu.memory_space<hbm>>
      %dma_start3A_245 = arith.constant 0 : i32
      %dma_start3A_246 = tpu.memref_slice %arg2[%mul3A_4, %dma_start3A_245] : memref<128x128xi32, #tpu.memory_space<hbm>> -> memref<4x128xi32, #tpu.memory_space<hbm>>
      tpu.enqueue_dma source(%dma_start3A_246 : memref<4x128xi32, #tpu.memory_space<hbm>>) target(%arg11 : memref<4x128xi32, #tpu.memory_space<vmem>>) target_semaphore(%run_scoped3A : memref<!tpu.dma_semaphore, #tpu.memory_space<semaphore_mem>>)
      %dma_wait3A_247 = arith.constant 0 : i32
      %dma_wait3A_248 = tpu.memref_slice %arg2[%mul3A_4, %dma_wait3A_247] : memref<128x128xi32, #tpu.memory_space<hbm>> -> memref<4x128xi32, #tpu.memory_space<hbm>>
      %dma_wait3A_249 = arith.constant 0 : i32
      %dma_wait3A_250 = tpu.memref_slice %arg2[%mul3A_4, %dma_wait3A_249] : memref<128x128xi32, #tpu.memory_space<hbm>> -> memref<4x128xi32, #tpu.memory_space<hbm>>
      tpu.wait_dma2 semaphore(%run_scoped3A : memref<!tpu.dma_semaphore, #tpu.memory_space<semaphore_mem>>) src(%dma_wait3A_250 : memref<4x128xi32, #tpu.memory_space<hbm>>) dst(%arg11 : memref<4x128xi32, #tpu.memory_space<vmem>>)
      tpu.yield
    }) : () -> ()
    "tpu.region"() ({
      %run_scoped3A = tpu.sem_alloc : memref<!tpu.dma_semaphore, #tpu.memory_space<semaphore_mem>>
      %dma_start3A_243 = arith.constant 0 : i32
      %dma_start3A_244 = tpu.memref_slice %arg3[%mul3A_4, %dma_start3A_243] : memref<128x128xi32, #tpu.memory_space<hbm>> -> memref<4x128xi32, #tpu.memory_space<hbm>>
      %dma_start3A_245 = arith.constant 0 : i32
      %dma_start3A_246 = tpu.memref_slice %arg3[%mul3A_4, %dma_start3A_245] : memref<128x128xi32, #tpu.memory_space<hbm>> -> memref<4x128xi32, #tpu.memory_space<hbm>>
      tpu.enqueue_dma source(%dma_start3A_246 : memref<4x128xi32, #tpu.memory_space<hbm>>) target(%arg12 : memref<4x128xi32, #tpu.memory_space<vmem>>) target_semaphore(%run_scoped3A : memref<!tpu.dma_semaphore, #tpu.memory_space<semaphore_mem>>)
      %dma_wait3A_247 = arith.constant 0 : i32
      %dma_wait3A_248 = tpu.memref_slice %arg3[%mul3A_4, %dma_wait3A_247] : memref<128x128xi32, #tpu.memory_space<hbm>> -> memref<4x128xi32, #tpu.memory_space<hbm>>
      %dma_wait3A_249 = arith.constant 0 : i32
      %dma_wait3A_250 = tpu.memref_slice %arg3[%mul3A_4, %dma_wait3A_249] : memref<128x128xi32, #tpu.memory_space<hbm>> -> memref<4x128xi32, #tpu.memory_space<hbm>>
      tpu.wait_dma2 semaphore(%run_scoped3A : memref<!tpu.dma_semaphore, #tpu.memory_space<semaphore_mem>>) src(%dma_wait3A_250 : memref<4x128xi32, #tpu.memory_space<hbm>>) dst(%arg12 : memref<4x128xi32, #tpu.memory_space<vmem>>)
      tpu.yield
    }) : () -> ()
    "tpu.region"() ({
      %run_scoped3A = tpu.sem_alloc : memref<!tpu.dma_semaphore, #tpu.memory_space<semaphore_mem>>
      %dma_start3A_243 = arith.constant 0 : i32
      %dma_start3A_244 = tpu.memref_slice %arg4[%mul3A_4, %dma_start3A_243] : memref<128x128xi32, #tpu.memory_space<hbm>> -> memref<4x128xi32, #tpu.memory_space<hbm>>
      %dma_start3A_245 = arith.constant 0 : i32
      %dma_start3A_246 = tpu.memref_slice %arg4[%mul3A_4, %dma_start3A_245] : memref<128x128xi32, #tpu.memory_space<hbm>> -> memref<4x128xi32, #tpu.memory_space<hbm>>
      tpu.enqueue_dma source(%dma_start3A_246 : memref<4x128xi32, #tpu.memory_space<hbm>>) target(%arg13 : memref<4x128xi32, #tpu.memory_space<vmem>>) target_semaphore(%run_scoped3A : memref<!tpu.dma_semaphore, #tpu.memory_space<semaphore_mem>>)
      %dma_wait3A_247 = arith.constant 0 : i32
      %dma_wait3A_248 = tpu.memref_slice %arg4[%mul3A_4, %dma_wait3A_247] : memref<128x128xi32, #tpu.memory_space<hbm>> -> memref<4x128xi32, #tpu.memory_space<hbm>>
      %dma_wait3A_249 = arith.constant 0 : i32
      %dma_wait3A_250 = tpu.memref_slice %arg4[%mul3A_4, %dma_wait3A_249] : memref<128x128xi32, #tpu.memory_space<hbm>> -> memref<4x128xi32, #tpu.memory_space<hbm>>
      tpu.wait_dma2 semaphore(%run_scoped3A : memref<!tpu.dma_semaphore, #tpu.memory_space<semaphore_mem>>) src(%dma_wait3A_250 : memref<4x128xi32, #tpu.memory_space<hbm>>) dst(%arg13 : memref<4x128xi32, #tpu.memory_space<vmem>>)
      tpu.yield
    }) : () -> ()
    %dma_start3A = arith.constant 0 : i32
    %dma_start3A_5 = arith.constant 0 : i32
    %dma_start3A_6 = arith.constant 0 : i32
    %dma_start3A_7 = tpu.memref_slice %arg14[%dma_start3A_5, %dma_start3A_6] : memref<512x32xf32, #tpu.memory_space<vmem>> -> memref<128x32xf32, #tpu.memory_space<vmem>>
    %dma_start3A_8 = arith.constant 0 : i32
    %dma_start3A_9 = tpu.memref_slice %arg11[%dma_start3A, %dma_start3A_8] : memref<4x128xi32, #tpu.memory_space<vmem>> -> memref<1x128xi32, #tpu.memory_space<vmem>>
    %dma_start3A_10 = tpu.memref_squeeze %dma_start3A_9 : memref<1x128xi32, #tpu.memory_space<vmem>> -> memref<128xi32, #tpu.memory_space<vmem>>
    %dma_start3A_11 = arith.constant 0 : i32
    %dma_start3A_12 = arith.constant 0 : i32
    %dma_start3A_13 = tpu.memref_slice %arg5[%dma_start3A_11, %dma_start3A_12] : memref<1000000x32xf32, #tpu.memory_space<hbm>> -> memref<1000000x32xf32, #tpu.memory_space<hbm>>
    tpu.enqueue_indirect_dma source(%dma_start3A_13 : memref<1000000x32xf32, #tpu.memory_space<hbm>>) target(%dma_start3A_7 : memref<128x32xf32, #tpu.memory_space<vmem>>) offsets(%dma_start3A_10 : memref<128xi32, #tpu.memory_space<vmem>>) semaphore(%arg17 : memref<!tpu.dma_semaphore, #tpu.memory_space<semaphore_mem>>)
    %dma_start3A_14 = arith.constant 0 : i32
    %dma_start3A_15 = arith.constant 0 : i32
    %dma_start3A_16 = arith.constant 0 : i32
    %dma_start3A_17 = tpu.memref_slice %arg15[%dma_start3A_15, %dma_start3A_16] : memref<512x16xf32, #tpu.memory_space<vmem>> -> memref<128x16xf32, #tpu.memory_space<vmem>>
    %dma_start3A_18 = arith.constant 0 : i32
    %dma_start3A_19 = tpu.memref_slice %arg12[%dma_start3A_14, %dma_start3A_18] : memref<4x128xi32, #tpu.memory_space<vmem>> -> memref<1x128xi32, #tpu.memory_space<vmem>>
    %dma_start3A_20 = tpu.memref_squeeze %dma_start3A_19 : memref<1x128xi32, #tpu.memory_space<vmem>> -> memref<128xi32, #tpu.memory_space<vmem>>
    %dma_start3A_21 = arith.constant 0 : i32
    %dma_start3A_22 = arith.constant 0 : i32
    %dma_start3A_23 = tpu.memref_slice %arg6[%dma_start3A_21, %dma_start3A_22] : memref<5000x16xf32, #tpu.memory_space<hbm>> -> memref<5000x16xf32, #tpu.memory_space<hbm>>
    tpu.enqueue_indirect_dma source(%dma_start3A_23 : memref<5000x16xf32, #tpu.memory_space<hbm>>) target(%dma_start3A_17 : memref<128x16xf32, #tpu.memory_space<vmem>>) offsets(%dma_start3A_20 : memref<128xi32, #tpu.memory_space<vmem>>) semaphore(%arg17 : memref<!tpu.dma_semaphore, #tpu.memory_space<semaphore_mem>>)
    %dma_start3A_24 = arith.constant 0 : i32
    %dma_start3A_25 = arith.constant 0 : i32
    %dma_start3A_26 = arith.constant 0 : i32
    %dma_start3A_27 = tpu.memref_slice %arg16[%dma_start3A_25, %dma_start3A_26] : memref<512x16xf32, #tpu.memory_space<vmem>> -> memref<128x16xf32, #tpu.memory_space<vmem>>
    %dma_start3A_28 = arith.constant 0 : i32
    %dma_start3A_29 = tpu.memref_slice %arg13[%dma_start3A_24, %dma_start3A_28] : memref<4x128xi32, #tpu.memory_space<vmem>> -> memref<1x128xi32, #tpu.memory_space<vmem>>
    %dma_start3A_30 = tpu.memref_squeeze %dma_start3A_29 : memref<1x128xi32, #tpu.memory_space<vmem>> -> memref<128xi32, #tpu.memory_space<vmem>>
    %dma_start3A_31 = arith.constant 0 : i32
    %dma_start3A_32 = arith.constant 0 : i32
    %dma_start3A_33 = tpu.memref_slice %arg7[%dma_start3A_31, %dma_start3A_32] : memref<5000x16xf32, #tpu.memory_space<hbm>> -> memref<5000x16xf32, #tpu.memory_space<hbm>>
    tpu.enqueue_indirect_dma source(%dma_start3A_33 : memref<5000x16xf32, #tpu.memory_space<hbm>>) target(%dma_start3A_27 : memref<128x16xf32, #tpu.memory_space<vmem>>) offsets(%dma_start3A_30 : memref<128xi32, #tpu.memory_space<vmem>>) semaphore(%arg17 : memref<!tpu.dma_semaphore, #tpu.memory_space<semaphore_mem>>)
    %dma_start3A_34 = arith.constant 1 : i32
    %dma_start3A_35 = arith.constant 128 : i32
    %dma_start3A_36 = arith.constant 0 : i32
    %dma_start3A_37 = tpu.memref_slice %arg14[%dma_start3A_35, %dma_start3A_36] : memref<512x32xf32, #tpu.memory_space<vmem>> -> memref<128x32xf32, #tpu.memory_space<vmem>>
    %dma_start3A_38 = arith.constant 0 : i32
    %dma_start3A_39 = tpu.memref_slice %arg11[%dma_start3A_34, %dma_start3A_38] : memref<4x128xi32, #tpu.memory_space<vmem>> -> memref<1x128xi32, #tpu.memory_space<vmem>>
    %dma_start3A_40 = tpu.memref_squeeze %dma_start3A_39 : memref<1x128xi32, #tpu.memory_space<vmem>> -> memref<128xi32, #tpu.memory_space<vmem>>
    %dma_start3A_41 = arith.constant 0 : i32
    %dma_start3A_42 = arith.constant 0 : i32
    %dma_start3A_43 = tpu.memref_slice %arg5[%dma_start3A_41, %dma_start3A_42] : memref<1000000x32xf32, #tpu.memory_space<hbm>> -> memref<1000000x32xf32, #tpu.memory_space<hbm>>
    tpu.enqueue_indirect_dma source(%dma_start3A_43 : memref<1000000x32xf32, #tpu.memory_space<hbm>>) target(%dma_start3A_37 : memref<128x32xf32, #tpu.memory_space<vmem>>) offsets(%dma_start3A_40 : memref<128xi32, #tpu.memory_space<vmem>>) semaphore(%arg17 : memref<!tpu.dma_semaphore, #tpu.memory_space<semaphore_mem>>)
    %dma_start3A_44 = arith.constant 1 : i32
    %dma_start3A_45 = arith.constant 128 : i32
    %dma_start3A_46 = arith.constant 0 : i32
    %dma_start3A_47 = tpu.memref_slice %arg15[%dma_start3A_45, %dma_start3A_46] : memref<512x16xf32, #tpu.memory_space<vmem>> -> memref<128x16xf32, #tpu.memory_space<vmem>>
    %dma_start3A_48 = arith.constant 0 : i32
    %dma_start3A_49 = tpu.memref_slice %arg12[%dma_start3A_44, %dma_start3A_48] : memref<4x128xi32, #tpu.memory_space<vmem>> -> memref<1x128xi32, #tpu.memory_space<vmem>>
    %dma_start3A_50 = tpu.memref_squeeze %dma_start3A_49 : memref<1x128xi32, #tpu.memory_space<vmem>> -> memref<128xi32, #tpu.memory_space<vmem>>
    %dma_start3A_51 = arith.constant 0 : i32
    %dma_start3A_52 = arith.constant 0 : i32
    %dma_start3A_53 = tpu.memref_slice %arg6[%dma_start3A_51, %dma_start3A_52] : memref<5000x16xf32, #tpu.memory_space<hbm>> -> memref<5000x16xf32, #tpu.memory_space<hbm>>
    tpu.enqueue_indirect_dma source(%dma_start3A_53 : memref<5000x16xf32, #tpu.memory_space<hbm>>) target(%dma_start3A_47 : memref<128x16xf32, #tpu.memory_space<vmem>>) offsets(%dma_start3A_50 : memref<128xi32, #tpu.memory_space<vmem>>) semaphore(%arg17 : memref<!tpu.dma_semaphore, #tpu.memory_space<semaphore_mem>>)
    %dma_start3A_54 = arith.constant 1 : i32
    %dma_start3A_55 = arith.constant 128 : i32
    %dma_start3A_56 = arith.constant 0 : i32
    %dma_start3A_57 = tpu.memref_slice %arg16[%dma_start3A_55, %dma_start3A_56] : memref<512x16xf32, #tpu.memory_space<vmem>> -> memref<128x16xf32, #tpu.memory_space<vmem>>
    %dma_start3A_58 = arith.constant 0 : i32
    %dma_start3A_59 = tpu.memref_slice %arg13[%dma_start3A_54, %dma_start3A_58] : memref<4x128xi32, #tpu.memory_space<vmem>> -> memref<1x128xi32, #tpu.memory_space<vmem>>
    %dma_start3A_60 = tpu.memref_squeeze %dma_start3A_59 : memref<1x128xi32, #tpu.memory_space<vmem>> -> memref<128xi32, #tpu.memory_space<vmem>>
    %dma_start3A_61 = arith.constant 0 : i32
    %dma_start3A_62 = arith.constant 0 : i32
    %dma_start3A_63 = tpu.memref_slice %arg7[%dma_start3A_61, %dma_start3A_62] : memref<5000x16xf32, #tpu.memory_space<hbm>> -> memref<5000x16xf32, #tpu.memory_space<hbm>>
    tpu.enqueue_indirect_dma source(%dma_start3A_63 : memref<5000x16xf32, #tpu.memory_space<hbm>>) target(%dma_start3A_57 : memref<128x16xf32, #tpu.memory_space<vmem>>) offsets(%dma_start3A_60 : memref<128xi32, #tpu.memory_space<vmem>>) semaphore(%arg17 : memref<!tpu.dma_semaphore, #tpu.memory_space<semaphore_mem>>)
    %dma_start3A_64 = arith.constant 2 : i32
    %dma_start3A_65 = arith.constant 256 : i32
    %dma_start3A_66 = arith.constant 0 : i32
    %dma_start3A_67 = tpu.memref_slice %arg14[%dma_start3A_65, %dma_start3A_66] : memref<512x32xf32, #tpu.memory_space<vmem>> -> memref<128x32xf32, #tpu.memory_space<vmem>>
    %dma_start3A_68 = arith.constant 0 : i32
    %dma_start3A_69 = tpu.memref_slice %arg11[%dma_start3A_64, %dma_start3A_68] : memref<4x128xi32, #tpu.memory_space<vmem>> -> memref<1x128xi32, #tpu.memory_space<vmem>>
    %dma_start3A_70 = tpu.memref_squeeze %dma_start3A_69 : memref<1x128xi32, #tpu.memory_space<vmem>> -> memref<128xi32, #tpu.memory_space<vmem>>
    %dma_start3A_71 = arith.constant 0 : i32
    %dma_start3A_72 = arith.constant 0 : i32
    %dma_start3A_73 = tpu.memref_slice %arg5[%dma_start3A_71, %dma_start3A_72] : memref<1000000x32xf32, #tpu.memory_space<hbm>> -> memref<1000000x32xf32, #tpu.memory_space<hbm>>
    tpu.enqueue_indirect_dma source(%dma_start3A_73 : memref<1000000x32xf32, #tpu.memory_space<hbm>>) target(%dma_start3A_67 : memref<128x32xf32, #tpu.memory_space<vmem>>) offsets(%dma_start3A_70 : memref<128xi32, #tpu.memory_space<vmem>>) semaphore(%arg17 : memref<!tpu.dma_semaphore, #tpu.memory_space<semaphore_mem>>)
    %dma_start3A_74 = arith.constant 2 : i32
    %dma_start3A_75 = arith.constant 256 : i32
    %dma_start3A_76 = arith.constant 0 : i32
    %dma_start3A_77 = tpu.memref_slice %arg15[%dma_start3A_75, %dma_start3A_76] : memref<512x16xf32, #tpu.memory_space<vmem>> -> memref<128x16xf32, #tpu.memory_space<vmem>>
    %dma_start3A_78 = arith.constant 0 : i32
    %dma_start3A_79 = tpu.memref_slice %arg12[%dma_start3A_74, %dma_start3A_78] : memref<4x128xi32, #tpu.memory_space<vmem>> -> memref<1x128xi32, #tpu.memory_space<vmem>>
    %dma_start3A_80 = tpu.memref_squeeze %dma_start3A_79 : memref<1x128xi32, #tpu.memory_space<vmem>> -> memref<128xi32, #tpu.memory_space<vmem>>
    %dma_start3A_81 = arith.constant 0 : i32
    %dma_start3A_82 = arith.constant 0 : i32
    %dma_start3A_83 = tpu.memref_slice %arg6[%dma_start3A_81, %dma_start3A_82] : memref<5000x16xf32, #tpu.memory_space<hbm>> -> memref<5000x16xf32, #tpu.memory_space<hbm>>
    tpu.enqueue_indirect_dma source(%dma_start3A_83 : memref<5000x16xf32, #tpu.memory_space<hbm>>) target(%dma_start3A_77 : memref<128x16xf32, #tpu.memory_space<vmem>>) offsets(%dma_start3A_80 : memref<128xi32, #tpu.memory_space<vmem>>) semaphore(%arg17 : memref<!tpu.dma_semaphore, #tpu.memory_space<semaphore_mem>>)
    %dma_start3A_84 = arith.constant 2 : i32
    %dma_start3A_85 = arith.constant 256 : i32
    %dma_start3A_86 = arith.constant 0 : i32
    %dma_start3A_87 = tpu.memref_slice %arg16[%dma_start3A_85, %dma_start3A_86] : memref<512x16xf32, #tpu.memory_space<vmem>> -> memref<128x16xf32, #tpu.memory_space<vmem>>
    %dma_start3A_88 = arith.constant 0 : i32
    %dma_start3A_89 = tpu.memref_slice %arg13[%dma_start3A_84, %dma_start3A_88] : memref<4x128xi32, #tpu.memory_space<vmem>> -> memref<1x128xi32, #tpu.memory_space<vmem>>
    %dma_start3A_90 = tpu.memref_squeeze %dma_start3A_89 : memref<1x128xi32, #tpu.memory_space<vmem>> -> memref<128xi32, #tpu.memory_space<vmem>>
    %dma_start3A_91 = arith.constant 0 : i32
    %dma_start3A_92 = arith.constant 0 : i32
    %dma_start3A_93 = tpu.memref_slice %arg7[%dma_start3A_91, %dma_start3A_92] : memref<5000x16xf32, #tpu.memory_space<hbm>> -> memref<5000x16xf32, #tpu.memory_space<hbm>>
    tpu.enqueue_indirect_dma source(%dma_start3A_93 : memref<5000x16xf32, #tpu.memory_space<hbm>>) target(%dma_start3A_87 : memref<128x16xf32, #tpu.memory_space<vmem>>) offsets(%dma_start3A_90 : memref<128xi32, #tpu.memory_space<vmem>>) semaphore(%arg17 : memref<!tpu.dma_semaphore, #tpu.memory_space<semaphore_mem>>)
    %dma_start3A_94 = arith.constant 3 : i32
    %dma_start3A_95 = arith.constant 384 : i32
    %dma_start3A_96 = arith.constant 0 : i32
    %dma_start3A_97 = tpu.memref_slice %arg14[%dma_start3A_95, %dma_start3A_96] : memref<512x32xf32, #tpu.memory_space<vmem>> -> memref<128x32xf32, #tpu.memory_space<vmem>>
    %dma_start3A_98 = arith.constant 0 : i32
    %dma_start3A_99 = tpu.memref_slice %arg11[%dma_start3A_94, %dma_start3A_98] : memref<4x128xi32, #tpu.memory_space<vmem>> -> memref<1x128xi32, #tpu.memory_space<vmem>>
    %dma_start3A_100 = tpu.memref_squeeze %dma_start3A_99 : memref<1x128xi32, #tpu.memory_space<vmem>> -> memref<128xi32, #tpu.memory_space<vmem>>
    %dma_start3A_101 = arith.constant 0 : i32
    %dma_start3A_102 = arith.constant 0 : i32
    %dma_start3A_103 = tpu.memref_slice %arg5[%dma_start3A_101, %dma_start3A_102] : memref<1000000x32xf32, #tpu.memory_space<hbm>> -> memref<1000000x32xf32, #tpu.memory_space<hbm>>
    tpu.enqueue_indirect_dma source(%dma_start3A_103 : memref<1000000x32xf32, #tpu.memory_space<hbm>>) target(%dma_start3A_97 : memref<128x32xf32, #tpu.memory_space<vmem>>) offsets(%dma_start3A_100 : memref<128xi32, #tpu.memory_space<vmem>>) semaphore(%arg17 : memref<!tpu.dma_semaphore, #tpu.memory_space<semaphore_mem>>)
    %dma_start3A_104 = arith.constant 3 : i32
    %dma_start3A_105 = arith.constant 384 : i32
    %dma_start3A_106 = arith.constant 0 : i32
    %dma_start3A_107 = tpu.memref_slice %arg15[%dma_start3A_105, %dma_start3A_106] : memref<512x16xf32, #tpu.memory_space<vmem>> -> memref<128x16xf32, #tpu.memory_space<vmem>>
    %dma_start3A_108 = arith.constant 0 : i32
    %dma_start3A_109 = tpu.memref_slice %arg12[%dma_start3A_104, %dma_start3A_108] : memref<4x128xi32, #tpu.memory_space<vmem>> -> memref<1x128xi32, #tpu.memory_space<vmem>>
    %dma_start3A_110 = tpu.memref_squeeze %dma_start3A_109 : memref<1x128xi32, #tpu.memory_space<vmem>> -> memref<128xi32, #tpu.memory_space<vmem>>
    %dma_start3A_111 = arith.constant 0 : i32
    %dma_start3A_112 = arith.constant 0 : i32
    %dma_start3A_113 = tpu.memref_slice %arg6[%dma_start3A_111, %dma_start3A_112] : memref<5000x16xf32, #tpu.memory_space<hbm>> -> memref<5000x16xf32, #tpu.memory_space<hbm>>
    tpu.enqueue_indirect_dma source(%dma_start3A_113 : memref<5000x16xf32, #tpu.memory_space<hbm>>) target(%dma_start3A_107 : memref<128x16xf32, #tpu.memory_space<vmem>>) offsets(%dma_start3A_110 : memref<128xi32, #tpu.memory_space<vmem>>) semaphore(%arg17 : memref<!tpu.dma_semaphore, #tpu.memory_space<semaphore_mem>>)
    %dma_start3A_114 = arith.constant 3 : i32
    %dma_start3A_115 = arith.constant 384 : i32
    %dma_start3A_116 = arith.constant 0 : i32
    %dma_start3A_117 = tpu.memref_slice %arg16[%dma_start3A_115, %dma_start3A_116] : memref<512x16xf32, #tpu.memory_space<vmem>> -> memref<128x16xf32, #tpu.memory_space<vmem>>
    %dma_start3A_118 = arith.constant 0 : i32
    %dma_start3A_119 = tpu.memref_slice %arg13[%dma_start3A_114, %dma_start3A_118] : memref<4x128xi32, #tpu.memory_space<vmem>> -> memref<1x128xi32, #tpu.memory_space<vmem>>
    %dma_start3A_120 = tpu.memref_squeeze %dma_start3A_119 : memref<1x128xi32, #tpu.memory_space<vmem>> -> memref<128xi32, #tpu.memory_space<vmem>>
    %dma_start3A_121 = arith.constant 0 : i32
    %dma_start3A_122 = arith.constant 0 : i32
    %dma_start3A_123 = tpu.memref_slice %arg7[%dma_start3A_121, %dma_start3A_122] : memref<5000x16xf32, #tpu.memory_space<hbm>> -> memref<5000x16xf32, #tpu.memory_space<hbm>>
    tpu.enqueue_indirect_dma source(%dma_start3A_123 : memref<5000x16xf32, #tpu.memory_space<hbm>>) target(%dma_start3A_117 : memref<128x16xf32, #tpu.memory_space<vmem>>) offsets(%dma_start3A_120 : memref<128xi32, #tpu.memory_space<vmem>>) semaphore(%arg17 : memref<!tpu.dma_semaphore, #tpu.memory_space<semaphore_mem>>)
    %dma_wait3A = arith.constant 0 : i32
    %dma_wait3A_124 = arith.constant 0 : i32
    %dma_wait3A_125 = arith.constant 0 : i32
    %dma_wait3A_126 = tpu.memref_slice %arg14[%dma_wait3A_124, %dma_wait3A_125] : memref<512x32xf32, #tpu.memory_space<vmem>> -> memref<128x32xf32, #tpu.memory_space<vmem>>
    %dma_wait3A_127 = arith.constant 0 : i32
    %dma_wait3A_128 = tpu.memref_slice %arg11[%dma_wait3A, %dma_wait3A_127] : memref<4x128xi32, #tpu.memory_space<vmem>> -> memref<1x128xi32, #tpu.memory_space<vmem>>
    %dma_wait3A_129 = tpu.memref_squeeze %dma_wait3A_128 : memref<1x128xi32, #tpu.memory_space<vmem>> -> memref<128xi32, #tpu.memory_space<vmem>>
    %dma_wait3A_130 = arith.constant 0 : i32
    %dma_wait3A_131 = arith.constant 0 : i32
    %dma_wait3A_132 = tpu.memref_slice %arg5[%dma_wait3A_130, %dma_wait3A_131] : memref<1000000x32xf32, #tpu.memory_space<hbm>> -> memref<1000000x32xf32, #tpu.memory_space<hbm>>
    tpu.wait_indirect_dma semaphore(%arg17 : memref<!tpu.dma_semaphore, #tpu.memory_space<semaphore_mem>>) src(%dma_wait3A_132 : memref<1000000x32xf32, #tpu.memory_space<hbm>>) dst(%dma_wait3A_126 : memref<128x32xf32, #tpu.memory_space<vmem>>)
    %dma_wait3A_133 = arith.constant 0 : i32
    %dma_wait3A_134 = arith.constant 0 : i32
    %dma_wait3A_135 = arith.constant 0 : i32
    %dma_wait3A_136 = tpu.memref_slice %arg15[%dma_wait3A_134, %dma_wait3A_135] : memref<512x16xf32, #tpu.memory_space<vmem>> -> memref<128x16xf32, #tpu.memory_space<vmem>>
    %dma_wait3A_137 = arith.constant 0 : i32
    %dma_wait3A_138 = tpu.memref_slice %arg12[%dma_wait3A_133, %dma_wait3A_137] : memref<4x128xi32, #tpu.memory_space<vmem>> -> memref<1x128xi32, #tpu.memory_space<vmem>>
    %dma_wait3A_139 = tpu.memref_squeeze %dma_wait3A_138 : memref<1x128xi32, #tpu.memory_space<vmem>> -> memref<128xi32, #tpu.memory_space<vmem>>
    %dma_wait3A_140 = arith.constant 0 : i32
    %dma_wait3A_141 = arith.constant 0 : i32
    %dma_wait3A_142 = tpu.memref_slice %arg6[%dma_wait3A_140, %dma_wait3A_141] : memref<5000x16xf32, #tpu.memory_space<hbm>> -> memref<5000x16xf32, #tpu.memory_space<hbm>>
    tpu.wait_indirect_dma semaphore(%arg17 : memref<!tpu.dma_semaphore, #tpu.memory_space<semaphore_mem>>) src(%dma_wait3A_142 : memref<5000x16xf32, #tpu.memory_space<hbm>>) dst(%dma_wait3A_136 : memref<128x16xf32, #tpu.memory_space<vmem>>)
    %dma_wait3A_143 = arith.constant 0 : i32
    %dma_wait3A_144 = arith.constant 0 : i32
    %dma_wait3A_145 = arith.constant 0 : i32
    %dma_wait3A_146 = tpu.memref_slice %arg16[%dma_wait3A_144, %dma_wait3A_145] : memref<512x16xf32, #tpu.memory_space<vmem>> -> memref<128x16xf32, #tpu.memory_space<vmem>>
    %dma_wait3A_147 = arith.constant 0 : i32
    %dma_wait3A_148 = tpu.memref_slice %arg13[%dma_wait3A_143, %dma_wait3A_147] : memref<4x128xi32, #tpu.memory_space<vmem>> -> memref<1x128xi32, #tpu.memory_space<vmem>>
    %dma_wait3A_149 = tpu.memref_squeeze %dma_wait3A_148 : memref<1x128xi32, #tpu.memory_space<vmem>> -> memref<128xi32, #tpu.memory_space<vmem>>
    %dma_wait3A_150 = arith.constant 0 : i32
    %dma_wait3A_151 = arith.constant 0 : i32
    %dma_wait3A_152 = tpu.memref_slice %arg7[%dma_wait3A_150, %dma_wait3A_151] : memref<5000x16xf32, #tpu.memory_space<hbm>> -> memref<5000x16xf32, #tpu.memory_space<hbm>>
    tpu.wait_indirect_dma semaphore(%arg17 : memref<!tpu.dma_semaphore, #tpu.memory_space<semaphore_mem>>) src(%dma_wait3A_152 : memref<5000x16xf32, #tpu.memory_space<hbm>>) dst(%dma_wait3A_146 : memref<128x16xf32, #tpu.memory_space<vmem>>)
    %dma_wait3A_153 = arith.constant 1 : i32
    %dma_wait3A_154 = arith.constant 128 : i32
    %dma_wait3A_155 = arith.constant 0 : i32
    %dma_wait3A_156 = tpu.memref_slice %arg14[%dma_wait3A_154, %dma_wait3A_155] : memref<512x32xf32, #tpu.memory_space<vmem>> -> memref<128x32xf32, #tpu.memory_space<vmem>>
    %dma_wait3A_157 = arith.constant 0 : i32
    %dma_wait3A_158 = tpu.memref_slice %arg11[%dma_wait3A_153, %dma_wait3A_157] : memref<4x128xi32, #tpu.memory_space<vmem>> -> memref<1x128xi32, #tpu.memory_space<vmem>>
    %dma_wait3A_159 = tpu.memref_squeeze %dma_wait3A_158 : memref<1x128xi32, #tpu.memory_space<vmem>> -> memref<128xi32, #tpu.memory_space<vmem>>
    %dma_wait3A_160 = arith.constant 0 : i32
    %dma_wait3A_161 = arith.constant 0 : i32
    %dma_wait3A_162 = tpu.memref_slice %arg5[%dma_wait3A_160, %dma_wait3A_161] : memref<1000000x32xf32, #tpu.memory_space<hbm>> -> memref<1000000x32xf32, #tpu.memory_space<hbm>>
    tpu.wait_indirect_dma semaphore(%arg17 : memref<!tpu.dma_semaphore, #tpu.memory_space<semaphore_mem>>) src(%dma_wait3A_162 : memref<1000000x32xf32, #tpu.memory_space<hbm>>) dst(%dma_wait3A_156 : memref<128x32xf32, #tpu.memory_space<vmem>>)
    %dma_wait3A_163 = arith.constant 1 : i32
    %dma_wait3A_164 = arith.constant 128 : i32
    %dma_wait3A_165 = arith.constant 0 : i32
    %dma_wait3A_166 = tpu.memref_slice %arg15[%dma_wait3A_164, %dma_wait3A_165] : memref<512x16xf32, #tpu.memory_space<vmem>> -> memref<128x16xf32, #tpu.memory_space<vmem>>
    %dma_wait3A_167 = arith.constant 0 : i32
    %dma_wait3A_168 = tpu.memref_slice %arg12[%dma_wait3A_163, %dma_wait3A_167] : memref<4x128xi32, #tpu.memory_space<vmem>> -> memref<1x128xi32, #tpu.memory_space<vmem>>
    %dma_wait3A_169 = tpu.memref_squeeze %dma_wait3A_168 : memref<1x128xi32, #tpu.memory_space<vmem>> -> memref<128xi32, #tpu.memory_space<vmem>>
    %dma_wait3A_170 = arith.constant 0 : i32
    %dma_wait3A_171 = arith.constant 0 : i32
    %dma_wait3A_172 = tpu.memref_slice %arg6[%dma_wait3A_170, %dma_wait3A_171] : memref<5000x16xf32, #tpu.memory_space<hbm>> -> memref<5000x16xf32, #tpu.memory_space<hbm>>
    tpu.wait_indirect_dma semaphore(%arg17 : memref<!tpu.dma_semaphore, #tpu.memory_space<semaphore_mem>>) src(%dma_wait3A_172 : memref<5000x16xf32, #tpu.memory_space<hbm>>) dst(%dma_wait3A_166 : memref<128x16xf32, #tpu.memory_space<vmem>>)
    %dma_wait3A_173 = arith.constant 1 : i32
    %dma_wait3A_174 = arith.constant 128 : i32
    %dma_wait3A_175 = arith.constant 0 : i32
    %dma_wait3A_176 = tpu.memref_slice %arg16[%dma_wait3A_174, %dma_wait3A_175] : memref<512x16xf32, #tpu.memory_space<vmem>> -> memref<128x16xf32, #tpu.memory_space<vmem>>
    %dma_wait3A_177 = arith.constant 0 : i32
    %dma_wait3A_178 = tpu.memref_slice %arg13[%dma_wait3A_173, %dma_wait3A_177] : memref<4x128xi32, #tpu.memory_space<vmem>> -> memref<1x128xi32, #tpu.memory_space<vmem>>
    %dma_wait3A_179 = tpu.memref_squeeze %dma_wait3A_178 : memref<1x128xi32, #tpu.memory_space<vmem>> -> memref<128xi32, #tpu.memory_space<vmem>>
    %dma_wait3A_180 = arith.constant 0 : i32
    %dma_wait3A_181 = arith.constant 0 : i32
    %dma_wait3A_182 = tpu.memref_slice %arg7[%dma_wait3A_180, %dma_wait3A_181] : memref<5000x16xf32, #tpu.memory_space<hbm>> -> memref<5000x16xf32, #tpu.memory_space<hbm>>
    tpu.wait_indirect_dma semaphore(%arg17 : memref<!tpu.dma_semaphore, #tpu.memory_space<semaphore_mem>>) src(%dma_wait3A_182 : memref<5000x16xf32, #tpu.memory_space<hbm>>) dst(%dma_wait3A_176 : memref<128x16xf32, #tpu.memory_space<vmem>>)
    %dma_wait3A_183 = arith.constant 2 : i32
    %dma_wait3A_184 = arith.constant 256 : i32
    %dma_wait3A_185 = arith.constant 0 : i32
    %dma_wait3A_186 = tpu.memref_slice %arg14[%dma_wait3A_184, %dma_wait3A_185] : memref<512x32xf32, #tpu.memory_space<vmem>> -> memref<128x32xf32, #tpu.memory_space<vmem>>
    %dma_wait3A_187 = arith.constant 0 : i32
    %dma_wait3A_188 = tpu.memref_slice %arg11[%dma_wait3A_183, %dma_wait3A_187] : memref<4x128xi32, #tpu.memory_space<vmem>> -> memref<1x128xi32, #tpu.memory_space<vmem>>
    %dma_wait3A_189 = tpu.memref_squeeze %dma_wait3A_188 : memref<1x128xi32, #tpu.memory_space<vmem>> -> memref<128xi32, #tpu.memory_space<vmem>>
    %dma_wait3A_190 = arith.constant 0 : i32
    %dma_wait3A_191 = arith.constant 0 : i32
    %dma_wait3A_192 = tpu.memref_slice %arg5[%dma_wait3A_190, %dma_wait3A_191] : memref<1000000x32xf32, #tpu.memory_space<hbm>> -> memref<1000000x32xf32, #tpu.memory_space<hbm>>
    tpu.wait_indirect_dma semaphore(%arg17 : memref<!tpu.dma_semaphore, #tpu.memory_space<semaphore_mem>>) src(%dma_wait3A_192 : memref<1000000x32xf32, #tpu.memory_space<hbm>>) dst(%dma_wait3A_186 : memref<128x32xf32, #tpu.memory_space<vmem>>)
    %dma_wait3A_193 = arith.constant 2 : i32
    %dma_wait3A_194 = arith.constant 256 : i32
    %dma_wait3A_195 = arith.constant 0 : i32
    %dma_wait3A_196 = tpu.memref_slice %arg15[%dma_wait3A_194, %dma_wait3A_195] : memref<512x16xf32, #tpu.memory_space<vmem>> -> memref<128x16xf32, #tpu.memory_space<vmem>>
    %dma_wait3A_197 = arith.constant 0 : i32
    %dma_wait3A_198 = tpu.memref_slice %arg12[%dma_wait3A_193, %dma_wait3A_197] : memref<4x128xi32, #tpu.memory_space<vmem>> -> memref<1x128xi32, #tpu.memory_space<vmem>>
    %dma_wait3A_199 = tpu.memref_squeeze %dma_wait3A_198 : memref<1x128xi32, #tpu.memory_space<vmem>> -> memref<128xi32, #tpu.memory_space<vmem>>
    %dma_wait3A_200 = arith.constant 0 : i32
    %dma_wait3A_201 = arith.constant 0 : i32
    %dma_wait3A_202 = tpu.memref_slice %arg6[%dma_wait3A_200, %dma_wait3A_201] : memref<5000x16xf32, #tpu.memory_space<hbm>> -> memref<5000x16xf32, #tpu.memory_space<hbm>>
    tpu.wait_indirect_dma semaphore(%arg17 : memref<!tpu.dma_semaphore, #tpu.memory_space<semaphore_mem>>) src(%dma_wait3A_202 : memref<5000x16xf32, #tpu.memory_space<hbm>>) dst(%dma_wait3A_196 : memref<128x16xf32, #tpu.memory_space<vmem>>)
    %dma_wait3A_203 = arith.constant 2 : i32
    %dma_wait3A_204 = arith.constant 256 : i32
    %dma_wait3A_205 = arith.constant 0 : i32
    %dma_wait3A_206 = tpu.memref_slice %arg16[%dma_wait3A_204, %dma_wait3A_205] : memref<512x16xf32, #tpu.memory_space<vmem>> -> memref<128x16xf32, #tpu.memory_space<vmem>>
    %dma_wait3A_207 = arith.constant 0 : i32
    %dma_wait3A_208 = tpu.memref_slice %arg13[%dma_wait3A_203, %dma_wait3A_207] : memref<4x128xi32, #tpu.memory_space<vmem>> -> memref<1x128xi32, #tpu.memory_space<vmem>>
    %dma_wait3A_209 = tpu.memref_squeeze %dma_wait3A_208 : memref<1x128xi32, #tpu.memory_space<vmem>> -> memref<128xi32, #tpu.memory_space<vmem>>
    %dma_wait3A_210 = arith.constant 0 : i32
    %dma_wait3A_211 = arith.constant 0 : i32
    %dma_wait3A_212 = tpu.memref_slice %arg7[%dma_wait3A_210, %dma_wait3A_211] : memref<5000x16xf32, #tpu.memory_space<hbm>> -> memref<5000x16xf32, #tpu.memory_space<hbm>>
    tpu.wait_indirect_dma semaphore(%arg17 : memref<!tpu.dma_semaphore, #tpu.memory_space<semaphore_mem>>) src(%dma_wait3A_212 : memref<5000x16xf32, #tpu.memory_space<hbm>>) dst(%dma_wait3A_206 : memref<128x16xf32, #tpu.memory_space<vmem>>)
    %dma_wait3A_213 = arith.constant 3 : i32
    %dma_wait3A_214 = arith.constant 384 : i32
    %dma_wait3A_215 = arith.constant 0 : i32
    %dma_wait3A_216 = tpu.memref_slice %arg14[%dma_wait3A_214, %dma_wait3A_215] : memref<512x32xf32, #tpu.memory_space<vmem>> -> memref<128x32xf32, #tpu.memory_space<vmem>>
    %dma_wait3A_217 = arith.constant 0 : i32
    %dma_wait3A_218 = tpu.memref_slice %arg11[%dma_wait3A_213, %dma_wait3A_217] : memref<4x128xi32, #tpu.memory_space<vmem>> -> memref<1x128xi32, #tpu.memory_space<vmem>>
    %dma_wait3A_219 = tpu.memref_squeeze %dma_wait3A_218 : memref<1x128xi32, #tpu.memory_space<vmem>> -> memref<128xi32, #tpu.memory_space<vmem>>
    %dma_wait3A_220 = arith.constant 0 : i32
    %dma_wait3A_221 = arith.constant 0 : i32
    %dma_wait3A_222 = tpu.memref_slice %arg5[%dma_wait3A_220, %dma_wait3A_221] : memref<1000000x32xf32, #tpu.memory_space<hbm>> -> memref<1000000x32xf32, #tpu.memory_space<hbm>>
    tpu.wait_indirect_dma semaphore(%arg17 : memref<!tpu.dma_semaphore, #tpu.memory_space<semaphore_mem>>) src(%dma_wait3A_222 : memref<1000000x32xf32, #tpu.memory_space<hbm>>) dst(%dma_wait3A_216 : memref<128x32xf32, #tpu.memory_space<vmem>>)
    %dma_wait3A_223 = arith.constant 3 : i32
    %dma_wait3A_224 = arith.constant 384 : i32
    %dma_wait3A_225 = arith.constant 0 : i32
    %dma_wait3A_226 = tpu.memref_slice %arg15[%dma_wait3A_224, %dma_wait3A_225] : memref<512x16xf32, #tpu.memory_space<vmem>> -> memref<128x16xf32, #tpu.memory_space<vmem>>
    %dma_wait3A_227 = arith.constant 0 : i32
    %dma_wait3A_228 = tpu.memref_slice %arg12[%dma_wait3A_223, %dma_wait3A_227] : memref<4x128xi32, #tpu.memory_space<vmem>> -> memref<1x128xi32, #tpu.memory_space<vmem>>
    %dma_wait3A_229 = tpu.memref_squeeze %dma_wait3A_228 : memref<1x128xi32, #tpu.memory_space<vmem>> -> memref<128xi32, #tpu.memory_space<vmem>>
    %dma_wait3A_230 = arith.constant 0 : i32
    %dma_wait3A_231 = arith.constant 0 : i32
    %dma_wait3A_232 = tpu.memref_slice %arg6[%dma_wait3A_230, %dma_wait3A_231] : memref<5000x16xf32, #tpu.memory_space<hbm>> -> memref<5000x16xf32, #tpu.memory_space<hbm>>
    tpu.wait_indirect_dma semaphore(%arg17 : memref<!tpu.dma_semaphore, #tpu.memory_space<semaphore_mem>>) src(%dma_wait3A_232 : memref<5000x16xf32, #tpu.memory_space<hbm>>) dst(%dma_wait3A_226 : memref<128x16xf32, #tpu.memory_space<vmem>>)
    %dma_wait3A_233 = arith.constant 3 : i32
    %dma_wait3A_234 = arith.constant 384 : i32
    %dma_wait3A_235 = arith.constant 0 : i32
    %dma_wait3A_236 = tpu.memref_slice %arg16[%dma_wait3A_234, %dma_wait3A_235] : memref<512x16xf32, #tpu.memory_space<vmem>> -> memref<128x16xf32, #tpu.memory_space<vmem>>
    %dma_wait3A_237 = arith.constant 0 : i32
    %dma_wait3A_238 = tpu.memref_slice %arg13[%dma_wait3A_233, %dma_wait3A_237] : memref<4x128xi32, #tpu.memory_space<vmem>> -> memref<1x128xi32, #tpu.memory_space<vmem>>
    %dma_wait3A_239 = tpu.memref_squeeze %dma_wait3A_238 : memref<1x128xi32, #tpu.memory_space<vmem>> -> memref<128xi32, #tpu.memory_space<vmem>>
    %dma_wait3A_240 = arith.constant 0 : i32
    %dma_wait3A_241 = arith.constant 0 : i32
    %dma_wait3A_242 = tpu.memref_slice %arg7[%dma_wait3A_240, %dma_wait3A_241] : memref<5000x16xf32, #tpu.memory_space<hbm>> -> memref<5000x16xf32, #tpu.memory_space<hbm>>
    tpu.wait_indirect_dma semaphore(%arg17 : memref<!tpu.dma_semaphore, #tpu.memory_space<semaphore_mem>>) src(%dma_wait3A_242 : memref<5000x16xf32, #tpu.memory_space<hbm>>) dst(%dma_wait3A_236 : memref<128x16xf32, #tpu.memory_space<vmem>>)
    "tpu.region"() ({
      %run_scoped3A = tpu.sem_alloc : memref<!tpu.dma_semaphore, #tpu.memory_space<semaphore_mem>>
      %dma_start3A_243 = arith.constant 0 : i32
      %dma_start3A_244 = tpu.memref_slice %arg8[%mul3A_2, %dma_start3A_243] : memref<16384x32xf32, #tpu.memory_space<hbm>> -> memref<512x32xf32, #tpu.memory_space<hbm>>
      %dma_start3A_245 = arith.constant 0 : i32
      %dma_start3A_246 = tpu.memref_slice %arg8[%mul3A_2, %dma_start3A_245] : memref<16384x32xf32, #tpu.memory_space<hbm>> -> memref<512x32xf32, #tpu.memory_space<hbm>>
      tpu.enqueue_dma source(%arg14 : memref<512x32xf32, #tpu.memory_space<vmem>>) target(%dma_start3A_246 : memref<512x32xf32, #tpu.memory_space<hbm>>) target_semaphore(%run_scoped3A : memref<!tpu.dma_semaphore, #tpu.memory_space<semaphore_mem>>)
      %dma_wait3A_247 = arith.constant 0 : i32
      %dma_wait3A_248 = tpu.memref_slice %arg8[%mul3A_2, %dma_wait3A_247] : memref<16384x32xf32, #tpu.memory_space<hbm>> -> memref<512x32xf32, #tpu.memory_space<hbm>>
      %dma_wait3A_249 = arith.constant 0 : i32
      %dma_wait3A_250 = tpu.memref_slice %arg8[%mul3A_2, %dma_wait3A_249] : memref<16384x32xf32, #tpu.memory_space<hbm>> -> memref<512x32xf32, #tpu.memory_space<hbm>>
      tpu.wait_dma2 semaphore(%run_scoped3A : memref<!tpu.dma_semaphore, #tpu.memory_space<semaphore_mem>>) src(%arg14 : memref<512x32xf32, #tpu.memory_space<vmem>>) dst(%dma_wait3A_250 : memref<512x32xf32, #tpu.memory_space<hbm>>)
      tpu.yield
    }) : () -> ()
    "tpu.region"() ({
      %run_scoped3A = tpu.sem_alloc : memref<!tpu.dma_semaphore, #tpu.memory_space<semaphore_mem>>
      %dma_start3A_243 = arith.constant 0 : i32
      %dma_start3A_244 = tpu.memref_slice %arg9[%mul3A_2, %dma_start3A_243] : memref<16384x16xf32, #tpu.memory_space<hbm>> -> memref<512x16xf32, #tpu.memory_space<hbm>>
      %dma_start3A_245 = arith.constant 0 : i32
      %dma_start3A_246 = tpu.memref_slice %arg9[%mul3A_2, %dma_start3A_245] : memref<16384x16xf32, #tpu.memory_space<hbm>> -> memref<512x16xf32, #tpu.memory_space<hbm>>
      tpu.enqueue_dma source(%arg15 : memref<512x16xf32, #tpu.memory_space<vmem>>) target(%dma_start3A_246 : memref<512x16xf32, #tpu.memory_space<hbm>>) target_semaphore(%run_scoped3A : memref<!tpu.dma_semaphore, #tpu.memory_space<semaphore_mem>>)
      %dma_wait3A_247 = arith.constant 0 : i32
      %dma_wait3A_248 = tpu.memref_slice %arg9[%mul3A_2, %dma_wait3A_247] : memref<16384x16xf32, #tpu.memory_space<hbm>> -> memref<512x16xf32, #tpu.memory_space<hbm>>
      %dma_wait3A_249 = arith.constant 0 : i32
      %dma_wait3A_250 = tpu.memref_slice %arg9[%mul3A_2, %dma_wait3A_249] : memref<16384x16xf32, #tpu.memory_space<hbm>> -> memref<512x16xf32, #tpu.memory_space<hbm>>
      tpu.wait_dma2 semaphore(%run_scoped3A : memref<!tpu.dma_semaphore, #tpu.memory_space<semaphore_mem>>) src(%arg15 : memref<512x16xf32, #tpu.memory_space<vmem>>) dst(%dma_wait3A_250 : memref<512x16xf32, #tpu.memory_space<hbm>>)
      tpu.yield
    }) : () -> ()
    "tpu.region"() ({
      %run_scoped3A = tpu.sem_alloc : memref<!tpu.dma_semaphore, #tpu.memory_space<semaphore_mem>>
      %dma_start3A_243 = arith.constant 0 : i32
      %dma_start3A_244 = tpu.memref_slice %arg10[%mul3A_2, %dma_start3A_243] : memref<16384x16xf32, #tpu.memory_space<hbm>> -> memref<512x16xf32, #tpu.memory_space<hbm>>
      %dma_start3A_245 = arith.constant 0 : i32
      %dma_start3A_246 = tpu.memref_slice %arg10[%mul3A_2, %dma_start3A_245] : memref<16384x16xf32, #tpu.memory_space<hbm>> -> memref<512x16xf32, #tpu.memory_space<hbm>>
      tpu.enqueue_dma source(%arg16 : memref<512x16xf32, #tpu.memory_space<vmem>>) target(%dma_start3A_246 : memref<512x16xf32, #tpu.memory_space<hbm>>) target_semaphore(%run_scoped3A : memref<!tpu.dma_semaphore, #tpu.memory_space<semaphore_mem>>)
      %dma_wait3A_247 = arith.constant 0 : i32
      %dma_wait3A_248 = tpu.memref_slice %arg10[%mul3A_2, %dma_wait3A_247] : memref<16384x16xf32, #tpu.memory_space<hbm>> -> memref<512x16xf32, #tpu.memory_space<hbm>>
      %dma_wait3A_249 = arith.constant 0 : i32
      %dma_wait3A_250 = tpu.memref_slice %arg10[%mul3A_2, %dma_wait3A_249] : memref<16384x16xf32, #tpu.memory_space<hbm>> -> memref<512x16xf32, #tpu.memory_space<hbm>>
      tpu.wait_dma2 semaphore(%run_scoped3A : memref<!tpu.dma_semaphore, #tpu.memory_space<semaphore_mem>>) src(%arg16 : memref<512x16xf32, #tpu.memory_space<vmem>>) dst(%dma_wait3A_250 : memref<512x16xf32, #tpu.memory_space<hbm>>)
      tpu.yield
    }) : () -> ()
    return
  }
}

module attributes {stable_mosaic.version = 14 : i64} {
  func.func @_tc_body(%arg0: i32, %arg1: memref<2048x1xi32, #tpu.memory_space<vmem>>, %arg2: memref<2048x1xi32, #tpu.memory_space<vmem>>, %arg3: memref<2048x32xf32, #tpu.memory_space<vmem>>, %arg4: memref<2048x16xf32, #tpu.memory_space<vmem>>, %arg5: memref<2048x16xf32, #tpu.memory_space<vmem>>, %arg6: memref<2048x16xf32, #tpu.memory_space<vmem>>, %arg7: memref<24x8xf32, #tpu.memory_space<vmem>>, %arg8: memref<8x8xf32, #tpu.memory_space<vmem>>, %arg9: memref<32x64xf32, #tpu.memory_space<vmem>>, %arg10: memref<16x64xf32, #tpu.memory_space<vmem>>, %arg11: memref<16x64xf32, #tpu.memory_space<vmem>>, %arg12: memref<8x64xf32, #tpu.memory_space<vmem>>, %arg13: memref<8x64xf32, #tpu.memory_space<vmem>>, %arg14: memref<16x64xf32, #tpu.memory_space<vmem>>, %arg15: memref<1x64xf32, #tpu.memory_space<vmem>>, %arg16: memref<64x64xf32, #tpu.memory_space<vmem>>, %arg17: memref<1x64xf32, #tpu.memory_space<vmem>>, %arg18: memref<2048x64xf32, #tpu.memory_space<vmem>>) attributes {dimension_semantics = [#tpu.dimension_semantics<arbitrary>], iteration_bounds = array<i64: 8>, scalar_prefetch = 0 : i64, scratch_operands = 0 : i64, tpu.core_type = #tpu.core_type<tc>, window_params = [{transform_indices = @transform_0, window_bounds = array<i64: 2048, 1>}, {transform_indices = @transform_1, window_bounds = array<i64: 2048, 1>}, {transform_indices = @transform_2, window_bounds = array<i64: 2048, 32>}, {transform_indices = @transform_3, window_bounds = array<i64: 2048, 16>}, {transform_indices = @transform_4, window_bounds = array<i64: 2048, 16>}, {transform_indices = @transform_5, window_bounds = array<i64: 2048, 16>}, {pipeline_mode = #tpu.pipeline_mode<synchronous>, transform_indices = @transform_6, window_bounds = array<i64: 24, 8>}, {pipeline_mode = #tpu.pipeline_mode<synchronous>, transform_indices = @transform_7, window_bounds = array<i64: 8, 8>}, {pipeline_mode = #tpu.pipeline_mode<synchronous>, transform_indices = @transform_8, window_bounds = array<i64: 32, 64>}, {pipeline_mode = #tpu.pipeline_mode<synchronous>, transform_indices = @transform_9, window_bounds = array<i64: 16, 64>}, {pipeline_mode = #tpu.pipeline_mode<synchronous>, transform_indices = @transform_10, window_bounds = array<i64: 16, 64>}, {pipeline_mode = #tpu.pipeline_mode<synchronous>, transform_indices = @transform_11, window_bounds = array<i64: 8, 64>}, {pipeline_mode = #tpu.pipeline_mode<synchronous>, transform_indices = @transform_12, window_bounds = array<i64: 8, 64>}, {pipeline_mode = #tpu.pipeline_mode<synchronous>, transform_indices = @transform_13, window_bounds = array<i64: 16, 64>}, {pipeline_mode = #tpu.pipeline_mode<synchronous>, transform_indices = @transform_14, window_bounds = array<i64: 1, 64>}, {pipeline_mode = #tpu.pipeline_mode<synchronous>, transform_indices = @transform_15, window_bounds = array<i64: 64, 64>}, {pipeline_mode = #tpu.pipeline_mode<synchronous>, transform_indices = @transform_16, window_bounds = array<i64: 1, 64>}, {transform_indices = @transform_17, window_bounds = array<i64: 2048, 64>}]} {
    %get3A = arith.constant 0 : index
    %get3A_0 = arith.constant 0 : index
    %get3A_1 = vector.load %arg3[%get3A, %get3A_0] : memref<2048x32xf32, #tpu.memory_space<vmem>>, vector<2048x32xf32>
    %get3A_2 = arith.constant 0 : index
    %get3A_3 = arith.constant 0 : index
    %get3A_4 = vector.load %arg9[%get3A_2, %get3A_3] : memref<32x64xf32, #tpu.memory_space<vmem>>, vector<32x64xf32>
    %dot_general3A = arith.constant dense<0.000000e+00> : vector<2048x64xf32>
    %dot_general3A_5 = tpu.matmul %get3A_1, %get3A_4, %dot_general3A {dimension_numbers = #tpu.dot_dimension_numbers<[1], [0], [0], [1], [0, 0, 1, 1], [], []>, transpose_lhs_hint = false} : vector<2048x32xf32>, vector<32x64xf32>, vector<2048x64xf32> -> vector<2048x64xf32>
    %get3A_6 = arith.constant 0 : index
    %get3A_7 = arith.constant 0 : index
    %get3A_8 = vector.load %arg4[%get3A_6, %get3A_7] : memref<2048x16xf32, #tpu.memory_space<vmem>>, vector<2048x16xf32>
    %get3A_9 = arith.constant 0 : index
    %get3A_10 = arith.constant 0 : index
    %get3A_11 = vector.load %arg10[%get3A_9, %get3A_10] : memref<16x64xf32, #tpu.memory_space<vmem>>, vector<16x64xf32>
    %dot_general3A_12 = arith.constant dense<0.000000e+00> : vector<2048x64xf32>
    %dot_general3A_13 = tpu.matmul %get3A_8, %get3A_11, %dot_general3A_12 {dimension_numbers = #tpu.dot_dimension_numbers<[1], [0], [0], [1], [0, 0, 1, 1], [], []>, transpose_lhs_hint = false} : vector<2048x16xf32>, vector<16x64xf32>, vector<2048x64xf32> -> vector<2048x64xf32>
    %add3A = arith.addf %dot_general3A_5, %dot_general3A_13 : vector<2048x64xf32>
    %get3A_14 = arith.constant 0 : index
    %get3A_15 = arith.constant 0 : index
    %get3A_16 = vector.load %arg5[%get3A_14, %get3A_15] : memref<2048x16xf32, #tpu.memory_space<vmem>>, vector<2048x16xf32>
    %get3A_17 = arith.constant 0 : index
    %get3A_18 = arith.constant 0 : index
    %get3A_19 = vector.load %arg11[%get3A_17, %get3A_18] : memref<16x64xf32, #tpu.memory_space<vmem>>, vector<16x64xf32>
    %dot_general3A_20 = arith.constant dense<0.000000e+00> : vector<2048x64xf32>
    %dot_general3A_21 = tpu.matmul %get3A_16, %get3A_19, %dot_general3A_20 {dimension_numbers = #tpu.dot_dimension_numbers<[1], [0], [0], [1], [0, 0, 1, 1], [], []>, transpose_lhs_hint = false} : vector<2048x16xf32>, vector<16x64xf32>, vector<2048x64xf32> -> vector<2048x64xf32>
    %add3A_22 = arith.addf %add3A, %dot_general3A_21 : vector<2048x64xf32>
    %get3A_23 = arith.constant 0 : index
    %get3A_24 = arith.constant 0 : index
    %get3A_25 = vector.load %arg7[%get3A_23, %get3A_24] : memref<24x8xf32, #tpu.memory_space<vmem>>, vector<24x8xf32>
    %get3A_26 = arith.constant 0 : index
    %get3A_27 = arith.constant 0 : index
    %get3A_28 = vector.load %arg12[%get3A_26, %get3A_27] : memref<8x64xf32, #tpu.memory_space<vmem>>, vector<8x64xf32>
    %dot_general3A_29 = arith.constant dense<0.000000e+00> : vector<24x64xf32>
    %dot_general3A_30 = tpu.matmul %get3A_25, %get3A_28, %dot_general3A_29 {dimension_numbers = #tpu.dot_dimension_numbers<[1], [0], [0], [1], [0, 0, 1, 1], [], []>, transpose_lhs_hint = false} : vector<24x8xf32>, vector<8x64xf32>, vector<24x64xf32> -> vector<24x64xf32>
    %get3A_31 = arith.constant 0 : index
    %get3A_32 = arith.constant 0 : index
    %get3A_33 = vector.load %arg8[%get3A_31, %get3A_32] : memref<8x8xf32, #tpu.memory_space<vmem>>, vector<8x8xf32>
    %get3A_34 = arith.constant 0 : index
    %get3A_35 = arith.constant 0 : index
    %get3A_36 = vector.load %arg13[%get3A_34, %get3A_35] : memref<8x64xf32, #tpu.memory_space<vmem>>, vector<8x64xf32>
    %dot_general3A_37 = arith.constant dense<0.000000e+00> : vector<8x64xf32>
    %dot_general3A_38 = tpu.matmul %get3A_33, %get3A_36, %dot_general3A_37 {dimension_numbers = #tpu.dot_dimension_numbers<[1], [0], [0], [1], [0, 0, 1, 1], [], []>, transpose_lhs_hint = false} : vector<8x8xf32>, vector<8x64xf32>, vector<8x64xf32> -> vector<8x64xf32>
    %iota3A = tpu.iota {dimensions = array<i32: 1>} : vector<2048x24xi32>
    %get3A_39 = arith.constant 0 : index
    %get3A_40 = arith.constant 0 : index
    %get3A_41 = vector.load %arg1[%get3A_39, %get3A_40] : memref<2048x1xi32, #tpu.memory_space<vmem>>, vector<2048x1xi32>
    %eq3A = vector.broadcast %get3A_41 : vector<2048x1xi32> to vector<2048x24xi32>
    %eq3A_42 = arith.cmpi eq, %iota3A, %eq3A : vector<2048x24xi32>
    %convert_element_type3A = arith.extui %eq3A_42 : vector<2048x24xi1> to vector<2048x24xi32>
    %convert_element_type3A_43 = arith.sitofp %convert_element_type3A : vector<2048x24xi32> to vector<2048x24xf32>
    %iota3A_44 = tpu.iota {dimensions = array<i32: 1>} : vector<2048x8xi32>
    %get3A_45 = arith.constant 0 : index
    %get3A_46 = arith.constant 0 : index
    %get3A_47 = vector.load %arg2[%get3A_45, %get3A_46] : memref<2048x1xi32, #tpu.memory_space<vmem>>, vector<2048x1xi32>
    %eq3A_48 = vector.broadcast %get3A_47 : vector<2048x1xi32> to vector<2048x8xi32>
    %eq3A_49 = arith.cmpi eq, %iota3A_44, %eq3A_48 : vector<2048x8xi32>
    %convert_element_type3A_50 = arith.extui %eq3A_49 : vector<2048x8xi1> to vector<2048x8xi32>
    %convert_element_type3A_51 = arith.sitofp %convert_element_type3A_50 : vector<2048x8xi32> to vector<2048x8xf32>
    %dot_general3A_52 = arith.constant dense<0.000000e+00> : vector<2048x64xf32>
    %dot_general3A_53 = tpu.matmul %convert_element_type3A_43, %dot_general3A_30, %dot_general3A_52 {dimension_numbers = #tpu.dot_dimension_numbers<[1], [0], [0], [1], [0, 0, 1, 1], [], []>, transpose_lhs_hint = false} : vector<2048x24xf32>, vector<24x64xf32>, vector<2048x64xf32> -> vector<2048x64xf32>
    %add3A_54 = arith.addf %add3A_22, %dot_general3A_53 : vector<2048x64xf32>
    %dot_general3A_55 = arith.constant dense<0.000000e+00> : vector<2048x64xf32>
    %dot_general3A_56 = tpu.matmul %convert_element_type3A_51, %dot_general3A_38, %dot_general3A_55 {dimension_numbers = #tpu.dot_dimension_numbers<[1], [0], [0], [1], [0, 0, 1, 1], [], []>, transpose_lhs_hint = false} : vector<2048x8xf32>, vector<8x64xf32>, vector<2048x64xf32> -> vector<2048x64xf32>
    %add3A_57 = arith.addf %add3A_54, %dot_general3A_56 : vector<2048x64xf32>
    %get3A_58 = arith.constant 0 : index
    %get3A_59 = arith.constant 0 : index
    %get3A_60 = vector.load %arg6[%get3A_58, %get3A_59] : memref<2048x16xf32, #tpu.memory_space<vmem>>, vector<2048x16xf32>
    %get3A_61 = arith.constant 0 : index
    %get3A_62 = arith.constant 0 : index
    %get3A_63 = vector.load %arg14[%get3A_61, %get3A_62] : memref<16x64xf32, #tpu.memory_space<vmem>>, vector<16x64xf32>
    %dot_general3A_64 = arith.constant dense<0.000000e+00> : vector<2048x64xf32>
    %dot_general3A_65 = tpu.matmul %get3A_60, %get3A_63, %dot_general3A_64 {dimension_numbers = #tpu.dot_dimension_numbers<[1], [0], [0], [1], [0, 0, 1, 1], [], []>, transpose_lhs_hint = false} : vector<2048x16xf32>, vector<16x64xf32>, vector<2048x64xf32> -> vector<2048x64xf32>
    %add3A_66 = arith.addf %add3A_57, %dot_general3A_65 : vector<2048x64xf32>
    %get3A_67 = arith.constant 0 : index
    %get3A_68 = arith.constant 0 : index
    %get3A_69 = vector.load %arg15[%get3A_67, %get3A_68] : memref<1x64xf32, #tpu.memory_space<vmem>>, vector<1x64xf32>
    %add3A_70 = vector.broadcast %get3A_69 : vector<1x64xf32> to vector<2048x64xf32>
    %add3A_71 = arith.addf %add3A_66, %add3A_70 : vector<2048x64xf32>
    %max3A = arith.constant 0.000000e+00 : f32
    %max3A_72 = vector.broadcast %max3A : f32 to vector<2048x64xf32>
    %max3A_73 = arith.maximumf %add3A_71, %max3A_72 : vector<2048x64xf32>
    %get3A_74 = arith.constant 0 : index
    %get3A_75 = arith.constant 0 : index
    %get3A_76 = vector.load %arg16[%get3A_74, %get3A_75] : memref<64x64xf32, #tpu.memory_space<vmem>>, vector<64x64xf32>
    %dot_general3A_77 = arith.constant dense<0.000000e+00> : vector<2048x64xf32>
    %dot_general3A_78 = tpu.matmul %max3A_73, %get3A_76, %dot_general3A_77 {dimension_numbers = #tpu.dot_dimension_numbers<[1], [0], [0], [1], [0, 0, 1, 1], [], []>, transpose_lhs_hint = false} : vector<2048x64xf32>, vector<64x64xf32>, vector<2048x64xf32> -> vector<2048x64xf32>
    %get3A_79 = arith.constant 0 : index
    %get3A_80 = arith.constant 0 : index
    %get3A_81 = vector.load %arg17[%get3A_79, %get3A_80] : memref<1x64xf32, #tpu.memory_space<vmem>>, vector<1x64xf32>
    %add3A_82 = vector.broadcast %get3A_81 : vector<1x64xf32> to vector<2048x64xf32>
    %add3A_83 = arith.addf %dot_general3A_78, %add3A_82 : vector<2048x64xf32>
    %max3A_84 = arith.constant 0.000000e+00 : f32
    %max3A_85 = vector.broadcast %max3A_84 : f32 to vector<2048x64xf32>
    %max3A_86 = arith.maximumf %add3A_83, %max3A_85 : vector<2048x64xf32>
    %swap3A = arith.constant 0 : index
    %swap3A_87 = arith.constant 0 : index
    %swap3A_88 = vector.load %arg18[%swap3A, %swap3A_87] : memref<2048x64xf32, #tpu.memory_space<vmem>>, vector<2048x64xf32>
    tpu.vector_store %arg18[%swap3A, %swap3A_87], %max3A_86 {strides = array<i32>} : memref<2048x64xf32, #tpu.memory_space<vmem>>, vector<2048x64xf32>,
    return
  }
  func.func @transform_0(%arg0: i32) -> (i32, i32) {
    %c0_i32 = arith.constant 0 : i32
    %c0_i32_0 = arith.constant 0 : i32
    return %arg0, %c0_i32 : i32, i32
  }
  func.func @transform_1(%arg0: i32) -> (i32, i32) {
    %c0_i32 = arith.constant 0 : i32
    %c0_i32_0 = arith.constant 0 : i32
    return %arg0, %c0_i32 : i32, i32
  }
  func.func @transform_2(%arg0: i32) -> (i32, i32) {
    %c0_i32 = arith.constant 0 : i32
    %c0_i32_0 = arith.constant 0 : i32
    return %arg0, %c0_i32 : i32, i32
  }
  func.func @transform_3(%arg0: i32) -> (i32, i32) {
    %c0_i32 = arith.constant 0 : i32
    %c0_i32_0 = arith.constant 0 : i32
    return %arg0, %c0_i32 : i32, i32
  }
  func.func @transform_4(%arg0: i32) -> (i32, i32) {
    %c0_i32 = arith.constant 0 : i32
    %c0_i32_0 = arith.constant 0 : i32
    return %arg0, %c0_i32 : i32, i32
  }
  func.func @transform_5(%arg0: i32) -> (i32, i32) {
    %c0_i32 = arith.constant 0 : i32
    %c0_i32_0 = arith.constant 0 : i32
    return %arg0, %c0_i32 : i32, i32
  }
  func.func @transform_6(%arg0: i32) -> (i32, i32) {
    %c0_i32 = arith.constant 0 : i32
    %c0_i32_0 = arith.constant 0 : i32
    %c0_i32_1 = arith.constant 0 : i32
    return %c0_i32, %c0_i32_0 : i32, i32
  }
  func.func @transform_7(%arg0: i32) -> (i32, i32) {
    %c0_i32 = arith.constant 0 : i32
    %c0_i32_0 = arith.constant 0 : i32
    %c0_i32_1 = arith.constant 0 : i32
    return %c0_i32, %c0_i32_0 : i32, i32
  }
  func.func @transform_8(%arg0: i32) -> (i32, i32) {
    %c0_i32 = arith.constant 0 : i32
    %c0_i32_0 = arith.constant 0 : i32
    %c0_i32_1 = arith.constant 0 : i32
    return %c0_i32, %c0_i32_0 : i32, i32
  }
  func.func @transform_9(%arg0: i32) -> (i32, i32) {
    %c0_i32 = arith.constant 0 : i32
    %c0_i32_0 = arith.constant 0 : i32
    %c0_i32_1 = arith.constant 0 : i32
    return %c0_i32, %c0_i32_0 : i32, i32
  }
  func.func @transform_10(%arg0: i32) -> (i32, i32) {
    %c0_i32 = arith.constant 0 : i32
    %c0_i32_0 = arith.constant 0 : i32
    %c0_i32_1 = arith.constant 0 : i32
    return %c0_i32, %c0_i32_0 : i32, i32
  }
  func.func @transform_11(%arg0: i32) -> (i32, i32) {
    %c0_i32 = arith.constant 0 : i32
    %c0_i32_0 = arith.constant 0 : i32
    %c0_i32_1 = arith.constant 0 : i32
    return %c0_i32, %c0_i32_0 : i32, i32
  }
  func.func @transform_12(%arg0: i32) -> (i32, i32) {
    %c0_i32 = arith.constant 0 : i32
    %c0_i32_0 = arith.constant 0 : i32
    %c0_i32_1 = arith.constant 0 : i32
    return %c0_i32, %c0_i32_0 : i32, i32
  }
  func.func @transform_13(%arg0: i32) -> (i32, i32) {
    %c0_i32 = arith.constant 0 : i32
    %c0_i32_0 = arith.constant 0 : i32
    %c0_i32_1 = arith.constant 0 : i32
    return %c0_i32, %c0_i32_0 : i32, i32
  }
  func.func @transform_14(%arg0: i32) -> (i32, i32) {
    %c0_i32 = arith.constant 0 : i32
    %c0_i32_0 = arith.constant 0 : i32
    %c0_i32_1 = arith.constant 0 : i32
    return %c0_i32, %c0_i32_0 : i32, i32
  }
  func.func @transform_15(%arg0: i32) -> (i32, i32) {
    %c0_i32 = arith.constant 0 : i32
    %c0_i32_0 = arith.constant 0 : i32
    %c0_i32_1 = arith.constant 0 : i32
    return %c0_i32, %c0_i32_0 : i32, i32
  }
  func.func @transform_16(%arg0: i32) -> (i32, i32) {
    %c0_i32 = arith.constant 0 : i32
    %c0_i32_0 = arith.constant 0 : i32
    %c0_i32_1 = arith.constant 0 : i32
    return %c0_i32, %c0_i32_0 : i32, i32
  }
  func.func @transform_17(%arg0: i32) -> (i32, i32) {
    %c0_i32 = arith.constant 0 : i32
    %c0_i32_0 = arith.constant 0 : i32
    return %arg0, %c0_i32 : i32, i32
  }
}

</mosaic_0001>

<sc_bundles>
// kernel: kernel.4.cloned.1.call-start
scs
__scs_entry_jumppad:
0x0: {  	(pc) =	sbr.rel $0x88, $3  }
0x1: {  	(tag) =	ssettag $0x0;
	lr =	simm.s32 $0x1  }
0x2: {  	[smem:$0x3F90] =	sst lr;
	_ =	strace $0xD0000000  }
0x3: {  	_ = 	snop  }
0x4: {  	_ = 	snop  }
0x5: {  	_ = 	snop  }
0x6: {  	_ = 	snop  }
0x7: {  	_ = 	snop  }
__scs_overlays_trampoline_lowered:
0x8: {  	[smem:$0x3F9F] =	sst s0  }
0x9: {  	[smem:$0x3FA0] =	sst s1  }
0xa: {  	[smem:$0x3FA1] =	sst s2  }
0xb: {  	[smem:$0x3FA2] =	sst s3  }
0xc: {  	[smem:$0x3FA3] =	sst s4  }
0xd: {  	[smem:$0x3FA4] =	sst s5  }
0xe: {  	[smem:$0x3FA5] =	sst s6  }
0xf: {  	[smem:$0x3FA6] =	sst s7  }
0x10: {  	[smem:$0x3FA7] =	sst s8  }
0x11: {  	[smem:$0x3FA8] =	sst s9;
	s0 =	simm.s32 @!p0 $0x0  }
0x12: {  	s1 =	sld [smem:$0x3F8E];
	s0 =	simm.s32 @p0 $0x1  }
0x13: {  	[smem:$0x3FA9] =	sst s0;
	s0 =	simm.s32 @!p1 $0x0  }
0x14: {  	s2 =	sld [smem:$0x3F8D];
	s0 =	simm.s32 @p1 $0x1  }
0x15: {  	[smem:$0x3FAA] =	sst s0;
	s0 =	simm.s32 @!p2 $0x0  }
0x16: {  	s3 =	sld [smem:$0x3FDB];
	s0 =	simm.s32 @p2 $0x1  }
0x17: {  	s4 =	simm.s32 $0x1BF5;
	[smem:$0x3FAC] =	sst s0  }
0x18: {  	s0 =	sld [smem:$0x3F8F];
	_ =	swait.ge [sflag:s4], $0x0  }
0x19: {  	s7 =	sld [smem:$0x3F90]  }
0x1a: {  	s8 =	sadd.s32 $0xFFFFE003, lr  }
0x1b: {  	s9 =	sadd.s32 $0xFFFFFEF7, lr;
	s5 =	simm.s32 $0xFFFFFFFF;
	p2 =	slt.u32 s8, $0xFFFFF086  }
0x1c: {  	p1 =	slt.u32 s9, $0xF7A;
	s5 =	simm.s32 @!p2 $0x0  }
0x1d: {  	s5 =	simm.s32 @p1 $0x1;
	p0 =	seq.s32 s7, s2  }
0x1e: {  	s7 =	smul.u32 @!p0 $0xF7A, s2;
	p2 =	seq.s32 @!p0 s5, $0x0  }
0x1f: {  	s9 =	smul.u32 $0xF7A, s1;
	s8 =	simm.s32 @!p0 $0x1BF5;
	p2 =	por !p2, p0  }
0x20: {  	[sflag:s8] =	ssyncset.s32 @!p0 $0xFFFFF086;
	s6 =	sadd.s32 @!p0 s3, s7;
	s7 =	simm.s32 @!p0 $0x108  }
0x21: {  	s3 =	sadd.s32 s3, s9;
	s6 =	sadd.s32 @!p0 $0x88, s6;
	s7 =	simm.s32 @p2 $0x1082  }
0x22: {  	[simem:s7], [sflag:s8] =	dma.local @!p0 [hbm:s6], $0xF7A  }
0x23: {  	s9 =	sor.u32 $0xD0000000, s2;
	s6 =	simm.s32 $0x108;
	_ =	swait.ge @!p0 [sflag:s8], $0x0  }
0x24: {  	s3 =	sadd.s32 $0x88, s3;
	s6 =	simm.s32 @!p1 $0x1082;
	[sflag:s4] =	ssyncset.s32 $0xFFFFF086  }
0x25: {  	[simem:s6], [sflag:s4] =	dma.local [hbm:s3], $0xF7A  }
0x26: {  	[smem:$0x3F90] =	sst s1;
	(tag) =	ssettag s2;
	_ =	strace s9  }
0x27: {  	s1 =	sld [smem:$0x3FA0]  }
0x28: {  	s2 =	sld [smem:$0x3FA1]  }
0x29: {  	s4 =	sld [smem:$0x3FA3]  }
0x2a: {  	p0 =	seq.s32 s5, $0x0;
	s5 =	sld [smem:$0x3FA4]  }
0x2b: {  	s6 =	sld [smem:$0x3FA5]  }
0x2c: {  	s7 =	sld [smem:$0x3FA6]  }
0x2d: {  	s3 =	simm.s32 $0x108;
	s8 =	sld [smem:$0x3FA7]  }
0x2e: {  	s3 =	simm.s32 @!p0 $0x1082;
	s9 =	sld [smem:$0x3FA8]  }
0x2f: {  	lr =	sadd.s32 s0, s3;
	s0 =	sld [smem:$0x3F9F]  }
0x30: {  	s3 =	sld [smem:$0x3FA2]  }
0x31: {  	[smem:$0x3FAB] =	sst s10  }
0x32: {  	s10 =	sld [smem:$0x3FA9];
	_ =	sdelay $0x3  }
0x33: {  	p0 =	seq.s32 s10, $0x1;
	s10 =	sld [smem:$0x3FAB];
	_ =	sdelay $0x3  }
0x34: {  	[smem:$0x3FAB] =	sst s10  }
0x35: {  	s10 =	sld [smem:$0x3FAA];
	_ =	sdelay $0x3  }
0x36: {  	p1 =	seq.s32 s10, $0x1;
	s10 =	sld [smem:$0x3FAB];
	_ =	sdelay $0x3  }
0x37: {  	[smem:$0x3FAB] =	sst s10  }
0x38: {  	s10 =	sld [smem:$0x3FAC]  }
0x39: {  	_ = 	snop;
	(pc) =	sbr.ind lr, $3  }
0x3a: {  	_ = 	snop  }
0x3b: {  	_ = 	snop  }
0x3c: {  	p2 =	seq.s32 s10, $0x1;
	s10 =	sld [smem:$0x3FAB]  }
0x3d: {  	_ =	shalt  }
0x3e: {  	_ =	shalt  }
0x3f: {  	_ =	shalt  }
0x40: {  	_ =	shalt  }
0x41: {  	_ =	shalt  }
0x42: {  	_ =	shalt  }
0x43: {  	_ =	shalt  }
0x44: {  	_ =	shalt  }
0x45: {  	_ =	shalt  }
0x46: {  	_ =	shalt  }
0x47: {  	_ =	shalt  }
0x48: {  	_ =	shalt  }
0x49: {  	_ =	shalt  }
0x4a: {  	_ =	shalt  }
0x4b: {  	_ =	shalt  }
0x4c: {  	_ =	shalt  }
0x4d: {  	_ =	shalt  }
0x4e: {  	_ =	shalt  }
0x4f: {  	_ =	shalt  }
0x50: {  	_ =	shalt  }
0x51: {  	_ =	shalt  }
0x52: {  	_ =	shalt  }
0x53: {  	_ =	shalt  }
0x54: {  	_ =	shalt  }
0x55: {  	_ =	shalt  }
0x56: {  	_ =	shalt  }
0x57: {  	_ =	shalt  }
0x58: {  	_ =	shalt  }
0x59: {  	_ =	shalt  }
0x5a: {  	_ =	shalt  }
0x5b: {  	_ =	shalt  }
0x5c: {  	_ =	shalt  }
0x5d: {  	_ =	shalt  }
0x5e: {  	_ =	shalt  }
0x5f: {  	_ =	shalt  }
0x60: {  	_ =	shalt  }
0x61: {  	_ =	shalt  }
0x62: {  	_ =	shalt  }
0x63: {  	_ =	shalt  }
0x64: {  	_ =	shalt  }
0x65: {  	_ =	shalt  }
0x66: {  	_ =	shalt  }
0x67: {  	_ =	shalt  }
0x68: {  	_ =	shalt  }
0x69: {  	_ =	shalt  }
0x6a: {  	_ =	shalt  }
0x6b: {  	_ =	shalt  }
0x6c: {  	_ =	shalt  }
0x6d: {  	_ =	shalt  }
0x6e: {  	_ =	shalt  }
0x6f: {  	_ =	shalt  }
0x70: {  	_ =	shalt  }
0x71: {  	_ =	shalt  }
0x72: {  	_ =	shalt  }
0x73: {  	_ =	shalt  }
0x74: {  	_ =	shalt  }
0x75: {  	_ =	shalt  }
0x76: {  	_ =	shalt  }
0x77: {  	_ =	shalt  }
0x78: {  	_ =	shalt  }
0x79: {  	_ =	shalt  }
0x7a: {  	_ =	shalt  }
0x7b: {  	_ =	shalt  }
0x7c: {  	_ =	shalt  }
0x7d: {  	_ =	shalt  }
0x7e: {  	_ =	shalt  }
0x7f: {  	_ =	shalt  }
0x80: {  	_ =	shalt  }
0x81: {  	_ =	shalt  }
0x82: {  	_ =	shalt  }
0x83: {  	_ =	shalt  }
0x84: {  	_ =	shalt  }
0x85: {  	_ =	shalt  }
0x86: {  	_ =	shalt  }
0x87: {  	_ =	shalt  }
.Lfunc_end0:
.L_simem_size_0:
called_computation_lowered:
.L_overlay_start_0:
0x88: {  	s2 =	sld [smem:$0x3FD9]  }
0x89: {  	s3 =	sld [smem:$0x3FFE];
	_ =	sdelay $0x1  }
0x8a: {  	s1 =	srdreg.scid  }
0x8b: {  	s0 =	sand.u32 $0x1, s1  }
0x8c: {  	s17 =	sshll.u32 s0, $0xA;
	s2 =	sadd.s32 s3, s2  }
0x8d: {  	s2 =	sadd.s32 s2, s17  }
0x8e: {  	[smem:$0x3FB7] =	sst s2  }
0x8f: {  	_ = 	snop  }
0x90: {  	s2 =	sld [smem:$0x3FC9]  }
0x91: {  	s18 =	sld [smem:$0x3FC8]  }
0x92: {  	s4 =	sld [smem:$0x3FC7]  }
0x93: {  	s5 =	sld [smem:$0x3FD0];
	(tm) =	ssettm $0x1  }
0x94: {  	s6 =	sld [smem:$0x3FFB];
	_ =	sdelay $0x3  }
0x95: {  	_ =	strace s6  }
0x96: {  	s6 =	sld [smem:$0x3FFC];
	_ =	sdelay $0x3  }
0x97: {  	_ =	strace s6  }
0x98: {  	s6 =	sld [smem:$0x3FFD];
	_ =	sdelay $0x3  }
0x99: {  	_ =	strace s6  }
0x9a: {  	_ =	strace $0x8FFFFFFF  }
0x9b: {  	s19 =	sld [smem:$0x3FDB];
	_ =	sdelay $0x1  }
0x9c: {  	s7 =	simm.s32 $_scs_section_size  }
0x9d: {  	s8 =	simm.s32 $_size__tile_overlayer_lowered;
	s9 =	simm.s32 $_tile_overlayer_lowered  }
0x9e: {  	s22 =	simm.s32 $0x1BFF;
	s21 =	sshll.u32 s9, $0x1;
	s6 =	sadd.s32 s7, s19  }
0x9f: {  	s10 =	simm.s32 $0x0;
	s20 =	sshll.u32 s8, $0x1;
	s8 =	sadd.s32 s21, s6  }
0xa0: {  	[timem:s10], [sflag:s22] =	dma.local [hbm:s8], s20  }
0xa1: {  	_ =	swait.ge [sflag:s22], s20  }
0xa2: {  	s7 =	ssub.s32 $0x0, s20;
	[sflag:s22] =	ssyncset.done $0x0  }
0xa3: {  	[sflag:s22] =	ssyncadd.s32 s7;
	_ =	sdelay $0x1  }
0xa4: {  	s23 =	simm.s32 $0x1B8B  }
0xa5: {  	_ =	swait.ge [sflag:s23], $0x1  }
0xa6: {  	[sflag:s23] =	ssyncset.done $0x0  }
0xa7: {  	s25 =	simm.s32 $0x1B8E;
	s24 =	sld [smem:$0x3FFE];
	[sflag:s23] =	ssyncadd.s32 $0xFFFFFFFF  }
0xa8: {  	s26 =	simm.s32 $execute0_lowered;
	[smem:$0x3FD2] =	sst s25  }
0xa9: {  	s8 =	sshll.u32 s26, $0x1;
	_ =	strace $0x80000046;
	[dreg:$0x1] =	wrdreg $0xFFFFFFFF  }
0xaa: {  	s28 =	simm.s32 $_size_execute0_lowered;
	s6 =	sadd.s32 s6, s8;
	[dreg:$0x0] =	wrdreg $0x0  }
0xab: {  	s8 =	sshll.u32 s28, $0x1;
	[dreg:$0x2] =	wrdreg s6  }
0xac: {  	[dreg:$0x3] =	wrdreg s8  }
0xad: {  	[dreg:$0x4] =	wrdreg $0xC0  }
0xae: {  	_ =	task [dreg:s10], $0x5FFFF  }
0xaf: {  	[dreg:$0x1] =	wrdreg $0xFFFFFFFF  }
0xb0: {  	[dreg:$0x0] =	wrdreg $0x60  }
0xb1: {  	[dreg:$0x2] =	wrdreg s2  }
0xb2: {  	[dreg:$0x3] =	wrdreg s18  }
0xb3: {  	[dreg:$0x4] =	wrdreg s4  }
0xb4: {  	[dreg:$0x5] =	wrdreg s24  }
0xb5: {  	[dreg:$0x6] =	wrdreg s5  }
0xb6: {  	[dreg:$0x7] =	wrdreg $0x9  }
0xb7: {  	_ =	task.clear_ibuf [dreg:s10], $0x8FFFF;
	_ =	strace $0x90000046  }
0xb8: {  	s29 =	simm.s32 $0x9;
	_ =	strace $0x80000048  }
0xb9: {  	_ =	swait.ge [sflag:s29], $0x1  }
0xba: {  	[sflag:s29] =	ssyncadd.s32 $0xFFFFFFFF  }
0xbb: {  	_ =	strace $0x90000048  }
0xbc: {  	_ =	sfence  }
0xbd: {  	s30 =	sld [smem:$0x0];
	_ =	sdelay $0x2  }
0xbe: {  	s31 =	sshll.u32 s1, $0xD;
	s1 =	sshrl.u32 s1, $0x2  }
0xbf: {  	s3 =	sand.u32 $0x4000, s31;
	s1 =	sadd.s32 s1, s30  }
0xc0: {  	s0 =	sor.u32 s3, s0;
	s1 =	sshll.u32 s1, $0x11  }
0xc1: {  	s0 =	sor.u32 s1, s0  }
0xc2: {  	s0 =	sadd.s32 $0x8F2B, s0  }
0xc3: {  	[sflag:s0] =	ssyncadd.remote.s32 $0x1  }
0xc4: {  	_ =	sfence.sel $0xFFFF  }
0xc5: {  	[dreg:$0x0] =	wrdreg $0xFFFFFFFF;
	(pc) =	sbr.abs _section_cstart, $3  }
0xc6: {  	[dreg:$0x1] =	wrdreg $0xFFFFFFFF  }
0xc7: {  	_ =	task.clear_ibuf [dreg:s10], $0x2FFFF;
	_ =	strace $0x9FFFFFFF  }
0xc8: {  	(tm) =	ssettm $0x7FFFFFFF  }
0xc9: {  	_ =	shalt  }
tec
execute0_lowered:
.L_overlay_start_1:
0x0: {  	(tag) =	ssettag $0x1  }
0x1: {  	s0 =	rddreg [dreg:$0x0]  }
0x2: {  	s1 =	rddreg [dreg:$0x1]  }
0x3: {  	s3 =	rddreg [dreg:$0x2]  }
0x4: {  	s4 =	rddreg [dreg:$0x3]  }
0x5: {  	s5 =	rddreg [dreg:$0x4];
	s6 =	srdreg.scid  }
0x6: {  	s7 =	stileid.u32;
	s2 =	simm.s32 $0x0;
	s12 =	simm.s32 $0x200  }
0x7: {  	s13 =	simm.s32 $0x400;
	s14 =	simm.s32 $0x1600;
	s15 =	simm.s32 $0x280  }
0x8: {  	s16 =	simm.s32 $0x4E00;
	p0 =	por $0x0, $0x0;
	s28 =	simm.s32 $0x380  }
0x9: {  	s29 =	simm.s32 $0x5E00;
	s30 =	simm.s32 $0x580;
	s31 =	simm.s32 $0x7E00  }
0xa: {  	s6 =	sand.u32 $0x1, s6;
	s7 =	sshll.u32 s7, $0x1;
	[smem:$0x7FF] =	sst s2  }
0xb: {  	s8 =	sadd.s32 $0x5200, s4;
	s9 =	sor.u32 s6, s7;
	_ =	strace $0x80000047  }
0xc: {  	s7 =	sadd.s32 $0xF44E00, s4;
	s22 =	ssub.s32 $0x2, s6;
	s6 =	simm.s32 $0x600  }
0xd: {  	s10 =	sshll.u32 s9, $0x6;
	s11 =	sshll.u32 s9, $0xA;
	s19 =	sshll.u32 s9, $0xB  }
0xe: {  	s24 =	sshrl.u32 s22, $0x1;
	s9 =	simm.s32 $0x1;
	s0 =	sadd.s32 s0, s10  }
0xf: {  	s17 =	sadd.s32 s1, s10;
	s18 =	sadd.s32 s3, s10;
	s20 =	sadd.s32 s11, s4  }
0x10: {  	s21 =	sadd.s32 s5, s19;
	s10 =	sadd.s32 $0x2A00, s4;
	s1 =	ssub.s32 s22, s24  }
0x11: {  	s3 =	simm.s32 $0x2;
	s11 =	simm.s32 $0x80;
	s5 =	simm.s32 $0x4600  }
0x12: {  	s4 =	simm.s32 $0x6600;
	s19 =	simm.s32 $0x100;
	[dreg:$0x6] =	wrdreg s0  }
0x13: {  	s22 =	simm.s32 $0x5600;
	[dreg:$0x7] =	wrdreg s17;
	s26 =	smax.u32 s1, $0x1  }
0x14: {  	s24 =	simm.s32 $0x7600;
	[dreg:$0x8] =	wrdreg s18;
	p1 =	sne.s32 s26, $0x1  }
.Ltmp0:
0x15: {  	[dreg:$0x9] =	wrdreg s21;
	s23 =	sadd.s32 $0xFA00, s20;
	(pc) =	sbr.rel @!p1 .LBB2_3-.Ltmp0, $4  }
0x16: {  	s25 =	sadd.s32 $0x7A00, s20;
	s17 =	simm.s32 $0x480;
	s18 =	simm.s32 $0x6E00  }
0x17: {  	s20 =	simm.s32 $0x2600;
	s21 =	simm.s32 $0x300;
	[dreg:$0xa] =	wrdreg s23  }
0x18: {  	[dreg:$0xb] =	wrdreg s25;
	s23 =	simm.s32 $0x500;
	s25 =	simm.s32 $0x180  }
0x19: {  	s0 =	sadd.s32 $0xFFFFFFFF, s26;
	s26 =	simm.s32 $0x3600;
	s1 =	rddreg [dreg:$0x6]  }
0x1a: {  	[tilespmem:s2], [sflag:$0x2] =	stream.linear.gather [hbm4b:s1+s2], $0x200, $0x38;
	[tilespmem:$0x8600] =	vst v63  }
0x1b: {  	_ =	swait.ge [sflag:s3], $0x200  }
0x1c: {  	[sflag:s3] =	ssyncset.done $0x0  }
0x1d: {  	s1 =	rddreg [dreg:$0x7];
	[sflag:s3] =	ssyncadd.s32 $0xFFFFFE00  }
0x1e: {  	[tilespmem:s12], [sflag:$0x2] =	stream.linear.gather [hbm4b:s1+s2], $0x200, $0x38;
	[tilespmem:$0x8600] =	vst v63  }
0x1f: {  	_ =	swait.ge [sflag:s3], $0x200  }
0x20: {  	[sflag:s3] =	ssyncset.done $0x0  }
0x21: {  	s1 =	rddreg [dreg:$0x8];
	[sflag:s3] =	ssyncadd.s32 $0xFFFFFE00  }
0x22: {  	[tilespmem:s13], [sflag:$0x2] =	stream.linear.gather [hbm4b:s1+s2], $0x200, $0x38;
	[tilespmem:$0x8600] =	vst v63  }
0x23: {  	_ =	swait.ge [sflag:s3], $0x200  }
0x24: {  	[sflag:s3] =	ssyncset.done $0x0  }
0x25: {  	[sflag:s3] =	ssyncadd.s32 $0xFFFFFE00  }
0x26: {  	[tilespmem:s6], [sflag:$0x1] =	stream.indirect.gather [hbm4b:s7+s11], $0x20, s2, s11, $0xb8;
	[tilespmem:$0x8600] =	vst v63  }
0x27: {  	_ = 	snop  }
0x28: {  	[tilespmem:s5], [sflag:$0x1] =	stream.indirect.gather [hbm4b:s8+s11], $0x10, s12, s11, $0xb8;
	[tilespmem:$0x8600] =	vst v63  }
0x29: {  	_ = 	snop  }
0x2a: {  	[tilespmem:s4], [sflag:$0x1] =	stream.indirect.gather [hbm4b:s10+s11], $0x10, s13, s11, $0xb8;
	[tilespmem:$0x8600] =	vst v63  }
0x2b: {  	_ = 	snop  }
0x2c: {  	[tilespmem:s14], [sflag:$0x1] =	stream.indirect.gather [hbm4b:s7+s11], $0x20, s11, s11, $0xb8;
	[tilespmem:$0x8600] =	vst v63  }
0x2d: {  	_ = 	snop  }
0x2e: {  	[tilespmem:s16], [sflag:$0x1] =	stream.indirect.gather [hbm4b:s8+s11], $0x10, s15, s11, $0xb8;
	[tilespmem:$0x8600] =	vst v63  }
0x2f: {  	_ = 	snop  }
0x30: {  	[tilespmem:s18], [sflag:$0x1] =	stream.indirect.gather [hbm4b:s10+s11], $0x10, s17, s11, $0xb8;
	[tilespmem:$0x8600] =	vst v63  }
0x31: {  	_ = 	snop  }
0x32: {  	[tilespmem:s20], [sflag:$0x1] =	stream.indirect.gather [hbm4b:s7+s11], $0x20, s19, s11, $0xb8;
	[tilespmem:$0x8600] =	vst v63  }
0x33: {  	_ = 	snop  }
0x34: {  	[tilespmem:s22], [sflag:$0x1] =	stream.indirect.gather [hbm4b:s8+s11], $0x10, s21, s11, $0xb8;
	[tilespmem:$0x8600] =	vst v63  }
0x35: {  	_ = 	snop  }
0x36: {  	[tilespmem:s24], [sflag:$0x1] =	stream.indirect.gather [hbm4b:s10+s11], $0x10, s23, s11, $0xb8;
	[tilespmem:$0x8600] =	vst v63  }
0x37: {  	_ = 	snop  }
0x38: {  	[tilespmem:s26], [sflag:$0x1] =	stream.indirect.gather [hbm4b:s7+s11], $0x20, s25, s11, $0xb8;
	[tilespmem:$0x8600] =	vst v63  }
0x39: {  	_ = 	snop  }
0x3a: {  	[tilespmem:s29], [sflag:$0x1] =	stream.indirect.gather [hbm4b:s8+s11], $0x10, s28, s11, $0xb8;
	[tilespmem:$0x8600] =	vst v63  }
0x3b: {  	_ = 	snop  }
0x3c: {  	[tilespmem:s31], [sflag:$0x1] =	stream.indirect.gather [hbm4b:s10+s11], $0x10, s30, s11, $0xb8;
	[tilespmem:$0x8600] =	vst v63  }
0x3d: {  	_ =	swait.ge [sflag:s9], $0x1000  }
0x3e: {  	[sflag:s9] =	ssyncset.done $0x0  }
0x3f: {  	[sflag:s9] =	ssyncadd.s32 $0xFFFFF000  }
0x40: {  	_ =	swait.ge [sflag:s9], $0x800  }
0x41: {  	[sflag:s9] =	ssyncset.done $0x0  }
0x42: {  	[sflag:s9] =	ssyncadd.s32 $0xFFFFF800  }
0x43: {  	_ =	swait.ge [sflag:s9], $0x800  }
0x44: {  	[sflag:s9] =	ssyncset.done $0x0  }
0x45: {  	[sflag:s9] =	ssyncadd.s32 $0xFFFFF800  }
0x46: {  	_ =	swait.ge [sflag:s9], $0x1000  }
0x47: {  	[sflag:s9] =	ssyncset.done $0x0  }
0x48: {  	[sflag:s9] =	ssyncadd.s32 $0xFFFFF000  }
0x49: {  	_ =	swait.ge [sflag:s9], $0x800  }
0x4a: {  	[sflag:s9] =	ssyncset.done $0x0  }
0x4b: {  	[sflag:s9] =	ssyncadd.s32 $0xFFFFF800  }
0x4c: {  	_ =	swait.ge [sflag:s9], $0x800  }
0x4d: {  	[sflag:s9] =	ssyncset.done $0x0  }
0x4e: {  	[sflag:s9] =	ssyncadd.s32 $0xFFFFF800  }
0x4f: {  	_ =	swait.ge [sflag:s9], $0x1000  }
0x50: {  	[sflag:s9] =	ssyncset.done $0x0  }
0x51: {  	[sflag:s9] =	ssyncadd.s32 $0xFFFFF000  }
0x52: {  	_ =	swait.ge [sflag:s9], $0x800  }
0x53: {  	[sflag:s9] =	ssyncset.done $0x0  }
0x54: {  	[sflag:s9] =	ssyncadd.s32 $0xFFFFF800  }
0x55: {  	_ =	swait.ge [sflag:s9], $0x800  }
0x56: {  	[sflag:s9] =	ssyncset.done $0x0  }
0x57: {  	[sflag:s9] =	ssyncadd.s32 $0xFFFFF800  }
0x58: {  	_ =	swait.ge [sflag:s9], $0x1000  }
0x59: {  	[sflag:s9] =	ssyncset.done $0x0  }
0x5a: {  	[sflag:s9] =	ssyncadd.s32 $0xFFFFF000  }
0x5b: {  	_ =	swait.ge [sflag:s9], $0x800  }
0x5c: {  	[sflag:s9] =	ssyncset.done $0x0  }
0x5d: {  	[sflag:s9] =	ssyncadd.s32 $0xFFFFF800  }
0x5e: {  	_ =	swait.ge [sflag:s9], $0x800  }
0x5f: {  	[sflag:s9] =	ssyncset.done $0x0  }
0x60: {  	s1 =	rddreg [dreg:$0x9];
	[sflag:s9] =	ssyncadd.s32 $0xFFFFF800  }
0x61: {  	[hbm4b:s1+s2] =	stream.linear.scatter [tilespmem:s6], [sflag:$0x2], $0x4000, $0x38;
	[tilespmem:$0x8600] =	vst v63  }
0x62: {  	_ =	swait.ge [sflag:s3], $0x4000  }
0x63: {  	[sflag:s3] =	ssyncset.done $0x0  }
0x64: {  	s1 =	rddreg [dreg:$0xa];
	[sflag:s3] =	ssyncadd.s32 $0xFFFFC000  }
0x65: {  	[hbm4b:s1+s2] =	stream.linear.scatter [tilespmem:s5], [sflag:$0x2], $0x2000, $0x38;
	[tilespmem:$0x8600] =	vst v63  }
0x66: {  	p1 =	sne.s32 s0, $0x1;
	_ =	swait.ge [sflag:s3], $0x2000  }
.Ltmp1:
0x67: {  	[sflag:s3] =	ssyncset.done $0x0;
	(pc) =	sbr.rel @!p1 .LBB2_3-.Ltmp1, $4  }
0x68: {  	s1 =	rddreg [dreg:$0xb];
	[sflag:s3] =	ssyncadd.s32 $0xFFFFE000  }
0x69: {  	[hbm4b:s1+s2] =	stream.linear.scatter [tilespmem:s4], [sflag:$0x2], $0x2000, $0x38;
	[tilespmem:$0x8600] =	vst v63  }
0x6a: {  	s0 =	sadd.s32 $0xFFFFFFFF, s0;
	_ =	swait.ge [sflag:s3], $0x2000  }
0x6b: {  	p0 =	por $0x1, $0x1;
	s1 =	rddreg [dreg:$0x6];
	[sflag:s3] =	ssyncset.done $0x0  }
.LBB2_2:
0x6c: {  	[sflag:s3] =	ssyncadd.s32 $0xFFFFE000  }
0x6d: {  	[tilespmem:s2], [sflag:$0x2] =	stream.linear.gather [hbm4b:s1+s2], $0x200, $0x38;
	[tilespmem:$0x8600] =	vst v63  }
0x6e: {  	_ =	swait.ge [sflag:s3], $0x200  }
0x6f: {  	[sflag:s3] =	ssyncset.done $0x0  }
0x70: {  	s1 =	rddreg [dreg:$0x7];
	[sflag:s3] =	ssyncadd.s32 $0xFFFFFE00  }
0x71: {  	[tilespmem:s12], [sflag:$0x2] =	stream.linear.gather [hbm4b:s1+s2], $0x200, $0x38;
	[tilespmem:$0x8600] =	vst v63  }
0x72: {  	_ =	swait.ge [sflag:s3], $0x200  }
0x73: {  	[sflag:s3] =	ssyncset.done $0x0  }
0x74: {  	s1 =	rddreg [dreg:$0x8];
	[sflag:s3] =	ssyncadd.s32 $0xFFFFFE00  }
0x75: {  	[tilespmem:s13], [sflag:$0x2] =	stream.linear.gather [hbm4b:s1+s2], $0x200, $0x38;
	[tilespmem:$0x8600] =	vst v63  }
0x76: {  	_ =	swait.ge [sflag:s3], $0x200  }
0x77: {  	[sflag:s3] =	ssyncset.done $0x0  }
0x78: {  	[sflag:s3] =	ssyncadd.s32 $0xFFFFFE00  }
0x79: {  	[tilespmem:s6], [sflag:$0x1] =	stream.indirect.gather [hbm4b:s7+s11], $0x20, s2, s11, $0xb8;
	[tilespmem:$0x8600] =	vst v63  }
0x7a: {  	_ = 	snop  }
0x7b: {  	[tilespmem:s5], [sflag:$0x1] =	stream.indirect.gather [hbm4b:s8+s11], $0x10, s12, s11, $0xb8;
	[tilespmem:$0x8600] =	vst v63  }
0x7c: {  	_ = 	snop  }
0x7d: {  	[tilespmem:s4], [sflag:$0x1] =	stream.indirect.gather [hbm4b:s10+s11], $0x10, s13, s11, $0xb8;
	[tilespmem:$0x8600] =	vst v63  }
0x7e: {  	_ = 	snop  }
0x7f: {  	[tilespmem:s14], [sflag:$0x1] =	stream.indirect.gather [hbm4b:s7+s11], $0x20, s11, s11, $0xb8;
	[tilespmem:$0x8600] =	vst v63  }
0x80: {  	_ = 	snop  }
0x81: {  	[tilespmem:s16], [sflag:$0x1] =	stream.indirect.gather [hbm4b:s8+s11], $0x10, s15, s11, $0xb8;
	[tilespmem:$0x8600] =	vst v63  }
0x82: {  	_ = 	snop  }
0x83: {  	[tilespmem:s18], [sflag:$0x1] =	stream.indirect.gather [hbm4b:s10+s11], $0x10, s17, s11, $0xb8;
	[tilespmem:$0x8600] =	vst v63  }
0x84: {  	_ = 	snop  }
0x85: {  	[tilespmem:s20], [sflag:$0x1] =	stream.indirect.gather [hbm4b:s7+s11], $0x20, s19, s11, $0xb8;
	[tilespmem:$0x8600] =	vst v63  }
0x86: {  	_ = 	snop  }
0x87: {  	[tilespmem:s22], [sflag:$0x1] =	stream.indirect.gather [hbm4b:s8+s11], $0x10, s21, s11, $0xb8;
	[tilespmem:$0x8600] =	vst v63  }
0x88: {  	_ = 	snop  }
0x89: {  	[tilespmem:s24], [sflag:$0x1] =	stream.indirect.gather [hbm4b:s10+s11], $0x10, s23, s11, $0xb8;
	[tilespmem:$0x8600] =	vst v63  }
0x8a: {  	_ = 	snop  }
0x8b: {  	[tilespmem:s26], [sflag:$0x1] =	stream.indirect.gather [hbm4b:s7+s11], $0x20, s25, s11, $0xb8;
	[tilespmem:$0x8600] =	vst v63  }
0x8c: {  	_ = 	snop  }
0x8d: {  	[tilespmem:s29], [sflag:$0x1] =	stream.indirect.gather [hbm4b:s8+s11], $0x10, s28, s11, $0xb8;
	[tilespmem:$0x8600] =	vst v63  }
0x8e: {  	_ = 	snop  }
0x8f: {  	[tilespmem:s31], [sflag:$0x1] =	stream.indirect.gather [hbm4b:s10+s11], $0x10, s30, s11, $0xb8;
	[tilespmem:$0x8600] =	vst v63  }
0x90: {  	_ =	swait.ge [sflag:s9], $0x1000  }
0x91: {  	[sflag:s9] =	ssyncset.done $0x0  }
0x92: {  	[sflag:s9] =	ssyncadd.s32 $0xFFFFF000  }
0x93: {  	_ =	swait.ge [sflag:s9], $0x800  }
0x94: {  	[sflag:s9] =	ssyncset.done $0x0  }
0x95: {  	[sflag:s9] =	ssyncadd.s32 $0xFFFFF800  }
0x96: {  	_ =	swait.ge [sflag:s9], $0x800  }
0x97: {  	[sflag:s9] =	ssyncset.done $0x0  }
0x98: {  	[sflag:s9] =	ssyncadd.s32 $0xFFFFF800  }
0x99: {  	_ =	swait.ge [sflag:s9], $0x1000  }
0x9a: {  	[sflag:s9] =	ssyncset.done $0x0  }
0x9b: {  	[sflag:s9] =	ssyncadd.s32 $0xFFFFF000  }
0x9c: {  	_ =	swait.ge [sflag:s9], $0x800  }
0x9d: {  	[sflag:s9] =	ssyncset.done $0x0  }
0x9e: {  	[sflag:s9] =	ssyncadd.s32 $0xFFFFF800  }
0x9f: {  	_ =	swait.ge [sflag:s9], $0x800  }
0xa0: {  	[sflag:s9] =	ssyncset.done $0x0  }
0xa1: {  	[sflag:s9] =	ssyncadd.s32 $0xFFFFF800  }
0xa2: {  	_ =	swait.ge [sflag:s9], $0x1000  }
0xa3: {  	[sflag:s9] =	ssyncset.done $0x0  }
0xa4: {  	[sflag:s9] =	ssyncadd.s32 $0xFFFFF000  }
0xa5: {  	_ =	swait.ge [sflag:s9], $0x800  }
0xa6: {  	[sflag:s9] =	ssyncset.done $0x0  }
0xa7: {  	[sflag:s9] =	ssyncadd.s32 $0xFFFFF800  }
0xa8: {  	_ =	swait.ge [sflag:s9], $0x800  }
0xa9: {  	[sflag:s9] =	ssyncset.done $0x0  }
0xaa: {  	[sflag:s9] =	ssyncadd.s32 $0xFFFFF800  }
0xab: {  	_ =	swait.ge [sflag:s9], $0x1000  }
0xac: {  	[sflag:s9] =	ssyncset.done $0x0  }
0xad: {  	[sflag:s9] =	ssyncadd.s32 $0xFFFFF000  }
0xae: {  	_ =	swait.ge [sflag:s9], $0x800  }
0xaf: {  	[sflag:s9] =	ssyncset.done $0x0  }
0xb0: {  	[sflag:s9] =	ssyncadd.s32 $0xFFFFF800  }
0xb1: {  	_ =	swait.ge [sflag:s9], $0x800  }
0xb2: {  	[sflag:s9] =	ssyncset.done $0x0  }
0xb3: {  	s1 =	rddreg [dreg:$0x9];
	[sflag:s9] =	ssyncadd.s32 $0xFFFFF800  }
0xb4: {  	[hbm4b:s1+s2] =	stream.linear.scatter [tilespmem:s6], [sflag:$0x2], $0x4000, $0x38;
	[tilespmem:$0x8600] =	vst v63  }
0xb5: {  	_ =	swait.ge [sflag:s3], $0x4000  }
0xb6: {  	[sflag:s3] =	ssyncset.done $0x0  }
0xb7: {  	s1 =	rddreg [dreg:$0xa];
	[sflag:s3] =	ssyncadd.s32 $0xFFFFC000  }
0xb8: {  	[hbm4b:s1+s2] =	stream.linear.scatter [tilespmem:s5], [sflag:$0x2], $0x2000, $0x38;
	[tilespmem:$0x8600] =	vst v63  }
0xb9: {  	p1 =	sne.s32 s0, $0x1;
	_ =	swait.ge [sflag:s3], $0x2000  }
.Ltmp2:
0xba: {  	[sflag:s3] =	ssyncset.done $0x0;
	(pc) =	sbr.rel @p1 .LBB2_2-.Ltmp2, $4  }
0xbb: {  	s1 =	rddreg [dreg:$0xb];
	[sflag:s3] =	ssyncadd.s32 $0xFFFFE000  }
0xbc: {  	[hbm4b:s1+s2] =	stream.linear.scatter [tilespmem:s4], [sflag:$0x2], $0x2000, $0x38;
	[tilespmem:$0x8600] =	vst v63  }
0xbd: {  	_ =	swait.ge [sflag:s3], $0x2000  }
0xbe: {  	s0 =	sadd.s32 $0xFFFFFFFF, s0;
	s1 =	rddreg [dreg:$0x6];
	[sflag:s3] =	ssyncset.done $0x0  }
.LBB2_3:
0xbf: {  	[sflag:s3] =	ssyncadd.s32 @p0 $0xFFFFE000  }
0xc0: {  	[tilespmem:s2], [sflag:$0x2] =	stream.linear.gather [hbm4b:s1+s2], $0x200, $0x38;
	[tilespmem:$0x8600] =	vst v63  }
0xc1: {  	_ =	swait.ge [sflag:s3], $0x200  }
0xc2: {  	[sflag:s3] =	ssyncset.done $0x0  }
0xc3: {  	s0 =	rddreg [dreg:$0x7];
	[sflag:s3] =	ssyncadd.s32 $0xFFFFFE00  }
0xc4: {  	[tilespmem:s12], [sflag:$0x2] =	stream.linear.gather [hbm4b:s0+s2], $0x200, $0x38;
	[tilespmem:$0x8600] =	vst v63  }
0xc5: {  	_ =	swait.ge [sflag:s3], $0x200  }
0xc6: {  	[sflag:s3] =	ssyncset.done $0x0  }
0xc7: {  	s1 =	rddreg [dreg:$0x8];
	[sflag:s3] =	ssyncadd.s32 $0xFFFFFE00  }
0xc8: {  	[tilespmem:s13], [sflag:$0x2] =	stream.linear.gather [hbm4b:s1+s2], $0x200, $0x38;
	[tilespmem:$0x8600] =	vst v63  }
0xc9: {  	_ =	swait.ge [sflag:s3], $0x200  }
0xca: {  	[sflag:s3] =	ssyncset.done $0x0  }
0xcb: {  	[sflag:s3] =	ssyncadd.s32 $0xFFFFFE00  }
0xcc: {  	[tilespmem:s6], [sflag:$0x1] =	stream.indirect.gather [hbm4b:s7+s11], $0x20, s2, s11, $0xb8;
	[tilespmem:$0x8600] =	vst v63  }
0xcd: {  	_ = 	snop  }
0xce: {  	[tilespmem:s5], [sflag:$0x1] =	stream.indirect.gather [hbm4b:s8+s11], $0x10, s12, s11, $0xb8;
	[tilespmem:$0x8600] =	vst v63  }
0xcf: {  	_ = 	snop  }
0xd0: {  	[tilespmem:s4], [sflag:$0x1] =	stream.indirect.gather [hbm4b:s10+s11], $0x10, s13, s11, $0xb8;
	[tilespmem:$0x8600] =	vst v63  }
0xd1: {  	_ = 	snop  }
0xd2: {  	[tilespmem:s14], [sflag:$0x1] =	stream.indirect.gather [hbm4b:s7+s11], $0x20, s11, s11, $0xb8;
	[tilespmem:$0x8600] =	vst v63  }
0xd3: {  	_ = 	snop  }
0xd4: {  	[tilespmem:s16], [sflag:$0x1] =	stream.indirect.gather [hbm4b:s8+s11], $0x10, s15, s11, $0xb8;
	[tilespmem:$0x8600] =	vst v63  }
0xd5: {  	_ = 	snop  }
0xd6: {  	[tilespmem:s18], [sflag:$0x1] =	stream.indirect.gather [hbm4b:s10+s11], $0x10, s17, s11, $0xb8;
	[tilespmem:$0x8600] =	vst v63  }
0xd7: {  	_ = 	snop  }
0xd8: {  	[tilespmem:s20], [sflag:$0x1] =	stream.indirect.gather [hbm4b:s7+s11], $0x20, s19, s11, $0xb8;
	[tilespmem:$0x8600] =	vst v63  }
0xd9: {  	_ = 	snop  }
0xda: {  	[tilespmem:s22], [sflag:$0x1] =	stream.indirect.gather [hbm4b:s8+s11], $0x10, s21, s11, $0xb8;
	[tilespmem:$0x8600] =	vst v63  }
0xdb: {  	_ = 	snop  }
0xdc: {  	[tilespmem:s24], [sflag:$0x1] =	stream.indirect.gather [hbm4b:s10+s11], $0x10, s23, s11, $0xb8;
	[tilespmem:$0x8600] =	vst v63  }
0xdd: {  	_ = 	snop  }
0xde: {  	[tilespmem:s26], [sflag:$0x1] =	stream.indirect.gather [hbm4b:s7+s11], $0x20, s25, s11, $0xb8;
	[tilespmem:$0x8600] =	vst v63  }
0xdf: {  	_ = 	snop  }
0xe0: {  	[tilespmem:s29], [sflag:$0x1] =	stream.indirect.gather [hbm4b:s8+s11], $0x10, s28, s11, $0xb8;
	[tilespmem:$0x8600] =	vst v63  }
0xe1: {  	_ = 	snop  }
0xe2: {  	[tilespmem:s31], [sflag:$0x1] =	stream.indirect.gather [hbm4b:s10+s11], $0x10, s30, s11, $0xb8;
	[tilespmem:$0x8600] =	vst v63  }
0xe3: {  	_ =	swait.ge [sflag:s9], $0x1000  }
0xe4: {  	[sflag:s9] =	ssyncset.done $0x0  }
0xe5: {  	[sflag:s9] =	ssyncadd.s32 $0xFFFFF000  }
0xe6: {  	_ =	swait.ge [sflag:s9], $0x800  }
0xe7: {  	[sflag:s9] =	ssyncset.done $0x0  }
0xe8: {  	[sflag:s9] =	ssyncadd.s32 $0xFFFFF800  }
0xe9: {  	_ =	swait.ge [sflag:s9], $0x800  }
0xea: {  	[sflag:s9] =	ssyncset.done $0x0  }
0xeb: {  	[sflag:s9] =	ssyncadd.s32 $0xFFFFF800  }
0xec: {  	_ =	swait.ge [sflag:s9], $0x1000  }
0xed: {  	[sflag:s9] =	ssyncset.done $0x0  }
0xee: {  	[sflag:s9] =	ssyncadd.s32 $0xFFFFF000  }
0xef: {  	_ =	swait.ge [sflag:s9], $0x800  }
0xf0: {  	[sflag:s9] =	ssyncset.done $0x0  }
0xf1: {  	[sflag:s9] =	ssyncadd.s32 $0xFFFFF800  }
0xf2: {  	_ =	swait.ge [sflag:s9], $0x800  }
0xf3: {  	[sflag:s9] =	ssyncset.done $0x0  }
0xf4: {  	[sflag:s9] =	ssyncadd.s32 $0xFFFFF800  }
0xf5: {  	_ =	swait.ge [sflag:s9], $0x1000  }
0xf6: {  	[sflag:s9] =	ssyncset.done $0x0  }
0xf7: {  	[sflag:s9] =	ssyncadd.s32 $0xFFFFF000  }
0xf8: {  	_ =	swait.ge [sflag:s9], $0x800  }
0xf9: {  	[sflag:s9] =	ssyncset.done $0x0  }
0xfa: {  	[sflag:s9] =	ssyncadd.s32 $0xFFFFF800  }
0xfb: {  	_ =	swait.ge [sflag:s9], $0x800  }
0xfc: {  	[sflag:s9] =	ssyncset.done $0x0  }
0xfd: {  	[sflag:s9] =	ssyncadd.s32 $0xFFFFF800  }
0xfe: {  	_ =	swait.ge [sflag:s9], $0x1000  }
0xff: {  	[sflag:s9] =	ssyncset.done $0x0  }
0x100: {  	[sflag:s9] =	ssyncadd.s32 $0xFFFFF000  }
0x101: {  	_ =	swait.ge [sflag:s9], $0x800  }
0x102: {  	[sflag:s9] =	ssyncset.done $0x0  }
0x103: {  	[sflag:s9] =	ssyncadd.s32 $0xFFFFF800  }
0x104: {  	_ =	swait.ge [sflag:s9], $0x800  }
0x105: {  	[sflag:s9] =	ssyncset.done $0x0  }
0x106: {  	s28 =	rddreg [dreg:$0x9];
	[sflag:s9] =	ssyncadd.s32 $0xFFFFF800  }
0x107: {  	[hbm4b:s28+s2] =	stream.linear.scatter [tilespmem:s6], [sflag:$0x2], $0x4000, $0x38;
	[tilespmem:$0x8600] =	vst v63  }
0x108: {  	_ =	swait.ge [sflag:s3], $0x4000  }
0x109: {  	[sflag:s3] =	ssyncset.done $0x0  }
0x10a: {  	s29 =	rddreg [dreg:$0xa];
	[sflag:s3] =	ssyncadd.s32 $0xFFFFC000  }
0x10b: {  	[hbm4b:s29+s2] =	stream.linear.scatter [tilespmem:s5], [sflag:$0x2], $0x2000, $0x38;
	[tilespmem:$0x8600] =	vst v63  }
0x10c: {  	_ =	swait.ge [sflag:s3], $0x2000  }
0x10d: {  	[sflag:s3] =	ssyncset.done $0x0  }
0x10e: {  	s30 =	rddreg [dreg:$0xb];
	[sflag:s3] =	ssyncadd.s32 $0xFFFFE000  }
0x10f: {  	[hbm4b:s30+s2] =	stream.linear.scatter [tilespmem:s4], [sflag:$0x2], $0x2000, $0x38;
	[tilespmem:$0x8600] =	vst v63  }
0x110: {  	_ =	swait.ge [sflag:s3], $0x2000  }
0x111: {  	[sflag:s3] =	ssyncset.done $0x0  }
0x112: {  	[sflag:s3] =	ssyncadd.s32 $0xFFFFE000  }
0x113: {  	_ =	sfence.sel $0x180000  }
0x114: {  	[bflag:$0x0] =	sbarrier.arrive $0xFFFF  }
0x115: {  	_ =	strace $0x90000047  }
0x116: {  	s31 =	stileid.u32;
	[bflag:$0x2] =	sbarrier.arrive $0xFFFF  }
0x117: {  	p0 =	sne.s32 s31, $0x0;
	s0 =	rddreg [dreg:$0x5]  }
0x118: {  	s0 =	sadd.s32 @!p0 $0x100000, s0  }
0x119: {  	[sflag:s0] =	ssyncadd.tile.s32 @!p0 $0x1;
	_ =	shalt  }
.Lfunc_end2:
_tile_overlayer_lowered:
.L_overlay_start_2:
0x11a: {  	(tag) =	ssettag $0x2  }
0x11b: {  	s0 =	rddreg [dreg:$0x0];
	s2 =	stileid.u32  }
0x11c: {  	s1 =	rddreg [dreg:$0x1];
	p0 =	sne.s32 s2, $0x0  }
0x11d: {  	s3 =	rddreg [dreg:$0x2];
	[bflag:$0x3] =	sbarrier.arrive $0xFFFF;
	s2 =	simm.s32 @!p0 $0x1C02  }
0x11e: {  	[timem:s3], [sflag:s2] =	dma.local @!p0 [hbm:s0], s1  }
0x11f: {  	s0 =	simm.s32 @!p0 $0x2  }
0x120: {  	_ =	swait.ge @!p0 [sflag:s0], s1  }
0x121: {  	s1 =	ssub.s32 @!p0 $0x0, s1;
	[sflag:s0] =	ssyncset.done @!p0 $0x0  }
0x122: {  	[sflag:s0] =	ssyncadd.s32 @!p0 s1  }
0x123: {  	[bflag:$0x3] =	sbarrier.arrive $0xFFFF  }
0x124: {  	_ =	shalt  }

</sc_bundles>
